<compile_context>
chip_gen: v7x
topology: tpu7x:2x2x1
jax: 0.10.2.dev20260603
libtpu: 0.0.44.dev20260713+nightly
codegen_flags: <defaults>
</compile_context>

<pallas_src>
import jax
import jax.numpy as jnp
from jax import lax
from jax.experimental import pallas as pl
from jax.experimental.pallas import tpu as pltpu
from jax.experimental.pallas import tpu_sc as plsc

B = 1024
CTX = 10
D = 64
V = 100000


_NW = 32
_BPW = B // _NW
_IPW = _BPW * CTX
_CHUNK = 80
_NCHUNK = _IPW // _CHUNK


def _sc_body(x_hbm, emb_hbm, out_hbm, idx_v, rows_v, out_v, sem):
    wid = lax.axis_index("s") * 2 + lax.axis_index("c")
    base = wid * _IPW
    pltpu.sync_copy(x_hbm.at[pl.ds(base, _IPW)], idx_v)
    copies = []
    for k in range(_NCHUNK):
        copies.append(
            pltpu.async_copy(
                emb_hbm.at[idx_v.at[pl.ds(k * _CHUNK, _CHUNK)]],
                rows_v.at[pl.ds(k * _CHUNK, _CHUNK)],
                sem,
            )
        )
    for c in copies:
        c.wait()

    def row(r, carry):
        for j in range(D // 16):
            sl = pl.ds(j * 16, 16)
            acc = rows_v[r * CTX, sl]
            for c in range(1, CTX):
                acc = acc + rows_v[r * CTX + c, sl]
            out_v[r, sl] = acc
        return carry

    lax.fori_loop(0, _BPW, row, 0)
    pltpu.sync_copy(out_v, out_hbm.at[pl.ds(wid * _BPW, _BPW)])


def _sc_gather_sum(x_flat, emb):
    mesh = plsc.VectorSubcoreMesh(core_axis_name="c", subcore_axis_name="s")
    k = pl.kernel(
        _sc_body,
        mesh=mesh,
        out_type=jax.ShapeDtypeStruct((B, D), jnp.float32),
        scratch_types=[
            pltpu.VMEM((_IPW,), jnp.int32),
            pltpu.VMEM((_IPW, D), jnp.float32),
            pltpu.VMEM((_BPW, D), jnp.float32),
            pltpu.SemaphoreType.DMA,
        ],
        compiler_params=pltpu.CompilerParams(use_tc_tiling_on_sc=False),
    )
    return k(x_flat, emb)



_VB = 2048
_NV = -(-V // _VB)
_VPAD = _NV * _VB
_K = D + 2
_LOG2E = 1.4426950408889634
_LN2 = 0.6931471805599453


def _tc_body(s_ref, wt_ref, b_ref, out_ref, s2_ref, m_ref, l_ref):
    p = pl.program_id(0)
    j = pl.program_id(1)
    nv = pl.num_programs(1)

    @pl.when((p == 0) & (j == 0))
    def _():
        s2_ref[:, :D] = s_ref[...]
        s2_ref[:, D:D + 1] = jnp.ones((B, 1), jnp.float32)
        s2_ref[:, D + 1:] = jnp.zeros((B, 1), jnp.float32)
        m_ref[...] = jnp.full((1, B), -jnp.inf, jnp.float32)
        l_ref[...] = jnp.zeros((1, B), jnp.float32)

    scale = jnp.where(p == 0, jnp.float32(_LOG2E), jnp.float32(1.0))
    wt2 = (
        jnp.concatenate(
            [wt_ref[...], b_ref[...], jnp.full((1, _VB), -1.0, jnp.float32)],
            axis=0,
        )
        * scale
    )
    t = lax.dot_general(
        wt2, s2_ref[...],
        dimension_numbers=(((0,), (1,)), ((), ())),
        preferred_element_type=jnp.float32,
    )

    @pl.when(p == 0)
    def _():
        m_old = m_ref[...]
        m_new = jnp.maximum(m_old, jnp.max(t, axis=0, keepdims=True))
        l_ref[...] = l_ref[...] * jnp.exp2(m_old - m_new) + jnp.sum(
            jnp.exp2(t - m_new), axis=0, keepdims=True
        )
        m_ref[...] = m_new

        @pl.when(j == nv - 1)
        def _():
            lse = m_new * _LN2 + jnp.log(l_ref[...])
            s2_ref[:, D + 1:] = jnp.transpose(lse)

    @pl.when(p == 1)
    def _():
        out_ref[...] = t


def _tc_logsoftmax(s, Wt_pad, b2_pad):
    out_t = pl.pallas_call(
        _tc_body,
        grid=(2, _NV),
        in_specs=[
            pl.BlockSpec((B, D), lambda p, j: (0, 0)),
            pl.BlockSpec((D, _VB), lambda p, j: (0, j)),
            pl.BlockSpec((1, _VB), lambda p, j: (0, j)),
        ],
        out_specs=pl.BlockSpec((_VB, B), lambda p, j: (j * p, 0)),
        out_shape=jax.ShapeDtypeStruct((V, B), jnp.float32),
        scratch_shapes=[
            pltpu.VMEM((B, _K), jnp.float32),
            pltpu.VMEM((1, B), jnp.float32),
            pltpu.VMEM((1, B), jnp.float32),
        ],
    )(s, Wt_pad, b2_pad)
    return out_t.T


@jax.jit
def kernel(x, emb, W, b):
    s = _sc_gather_sum(x.reshape(-1).astype(jnp.int32), emb)
    wt_pad = jnp.pad(W.T, ((0, 0), (0, _VPAD - V)))
    b2_pad = jnp.pad(
        b.reshape(1, V), ((0, 0), (0, _VPAD - V)), constant_values=-1e30
    )
    return _tc_logsoftmax(s, wt_pad, b2_pad)

# --- scband reference (transcript-rebuilt; emitter-appended) ---
"""Pipeline reference for scband-cbow-8916352106953 (READ-ONLY COPY).

The authoritative reference and input builder live on the scoring server;
editing this copy changes nothing except your own understanding.
"""

import jax, jax.numpy as jnp
import numpy as np

VOCAB = 100000
EMB_DIM = 64
BATCH = 1024
CTX = 10  # 2 * window_size


def setup_inputs(seed: int = 0) -> dict:
    key = jax.random.key(seed)
    k_x, k_emb, k_w, k_b = jax.random.split(key, 4)
    x = jax.random.randint(k_x, (BATCH, CTX), 0, VOCAB, dtype=jnp.int64 if jax.config.jax_enable_x64 else jnp.int32)
    # learned params
    emb = jax.random.normal(k_emb, (VOCAB, EMB_DIM), dtype=jnp.float32)
    # torch nn.Linear(embedding_dim, vocab_size): weight [vocab, emb_dim], bias [vocab]
    W = jax.random.normal(k_w, (VOCAB, EMB_DIM), dtype=jnp.float32) * (1.0 / np.sqrt(EMB_DIM))
    b = jax.random.normal(k_b, (VOCAB,), dtype=jnp.float32) * 0.01
    return {"x": x, "emb": emb, "W": W, "b": b}


def reference(x, emb, W, b):
    # embedding lookup: [B, CTX, D]
    e = jnp.take(emb, x, axis=0)
    # sum over context window: [B, D]
    s = jnp.sum(e, axis=1)
    # linear projection to vocab: [B, V]
    logits = s @ W.T + b
    # log softmax over vocab
    log_probs = jax.nn.log_softmax(logits, axis=1)
    return log_probs

if __name__ == "__main__":
    import jax
    _d = setup_inputs()
    print(jax.jit(kernel)(*tuple(_d.values())))

</pallas_src>

<mosaic_0001>
#map = affine_map<(d0, d1) -> (0)>
#map1 = affine_map<(d0, d1) -> (0, 0)>
module attributes {stable_mosaic.version = 14 : i64} {
  func.func @_sc_body(%arg0: i32, %arg1: i32, %arg2: memref<10240xi32, #tpu.memory_space<hbm>>, %arg3: memref<100000x64xf32, #tpu.memory_space<hbm>>, %arg4: memref<1024x64xf32, #tpu.memory_space<hbm>>, %arg5: memref<320xi32, #tpu.memory_space<vmem>>, %arg6: memref<320x64xf32, #tpu.memory_space<vmem>>, %arg7: memref<32x64xf32, #tpu.memory_space<vmem>>, %arg8: memref<!tpu.dma_semaphore, #tpu.memory_space<semaphore_mem>>) attributes {dimension_semantics = [#tpu.dimension_semantics<core_parallel>, #tpu.dimension_semantics<subcore_parallel>], iteration_bounds = array<i64: 2, 16>, scalar_prefetch = 0 : i64, scratch_operands = 4 : i64, tpu.core_type = #tpu.core_type<sc_vector_subcore>, window_params = [{transform_indices = #map}, {transform_indices = #map1}, {transform_indices = #map1}]} {
    %mul3A = arith.constant 2 : i32
    %mul3A_0 = arith.muli %arg1, %mul3A : i32
    %add3A = arith.addi %mul3A_0, %arg0 : i32
    %mul3A_1 = arith.constant 320 : i32
    %mul3A_2 = arith.muli %add3A, %mul3A_1 : i32
    "tpu.region"() ({
      %run_scoped3A = tpu.sem_alloc : memref<!tpu.dma_semaphore, #tpu.memory_space<semaphore_mem>>
      %dma_start3A_72 = tpu.memref_slice %arg2[%mul3A_2] : memref<10240xi32, #tpu.memory_space<hbm>> -> memref<320xi32, #tpu.memory_space<hbm>>
      %dma_start3A_73 = tpu.memref_slice %arg2[%mul3A_2] : memref<10240xi32, #tpu.memory_space<hbm>> -> memref<320xi32, #tpu.memory_space<hbm>>
      tpu.enqueue_dma source(%dma_start3A_73 : memref<320xi32, #tpu.memory_space<hbm>>) target(%arg5 : memref<320xi32, #tpu.memory_space<vmem>>) target_semaphore(%run_scoped3A : memref<!tpu.dma_semaphore, #tpu.memory_space<semaphore_mem>>)
      %dma_wait3A_74 = tpu.memref_slice %arg2[%mul3A_2] : memref<10240xi32, #tpu.memory_space<hbm>> -> memref<320xi32, #tpu.memory_space<hbm>>
      %dma_wait3A_75 = tpu.memref_slice %arg2[%mul3A_2] : memref<10240xi32, #tpu.memory_space<hbm>> -> memref<320xi32, #tpu.memory_space<hbm>>
      tpu.wait_dma2 semaphore(%run_scoped3A : memref<!tpu.dma_semaphore, #tpu.memory_space<semaphore_mem>>) src(%dma_wait3A_75 : memref<320xi32, #tpu.memory_space<hbm>>) dst(%arg5 : memref<320xi32, #tpu.memory_space<vmem>>)
      tpu.yield
    }) : () -> ()
    %dma_start3A = arith.constant 0 : i32
    %dma_start3A_3 = arith.constant 0 : i32
    %dma_start3A_4 = tpu.memref_slice %arg6[%dma_start3A, %dma_start3A_3] : memref<320x64xf32, #tpu.memory_space<vmem>> -> memref<80x64xf32, #tpu.memory_space<vmem>>
    %dma_start3A_5 = arith.constant 0 : i32
    %dma_start3A_6 = tpu.memref_slice %arg5[%dma_start3A_5] : memref<320xi32, #tpu.memory_space<vmem>> -> memref<80xi32, #tpu.memory_space<vmem>>
    %dma_start3A_7 = arith.constant 0 : i32
    %dma_start3A_8 = arith.constant 0 : i32
    %dma_start3A_9 = tpu.memref_slice %arg3[%dma_start3A_7, %dma_start3A_8] : memref<100000x64xf32, #tpu.memory_space<hbm>> -> memref<100000x64xf32, #tpu.memory_space<hbm>>
    tpu.enqueue_indirect_dma source(%dma_start3A_9 : memref<100000x64xf32, #tpu.memory_space<hbm>>) target(%dma_start3A_4 : memref<80x64xf32, #tpu.memory_space<vmem>>) offsets(%dma_start3A_6 : memref<80xi32, #tpu.memory_space<vmem>>) semaphore(%arg8 : memref<!tpu.dma_semaphore, #tpu.memory_space<semaphore_mem>>)
    %dma_start3A_10 = arith.constant 80 : i32
    %dma_start3A_11 = arith.constant 0 : i32
    %dma_start3A_12 = tpu.memref_slice %arg6[%dma_start3A_10, %dma_start3A_11] : memref<320x64xf32, #tpu.memory_space<vmem>> -> memref<80x64xf32, #tpu.memory_space<vmem>>
    %dma_start3A_13 = arith.constant 80 : i32
    %dma_start3A_14 = tpu.memref_slice %arg5[%dma_start3A_13] : memref<320xi32, #tpu.memory_space<vmem>> -> memref<80xi32, #tpu.memory_space<vmem>>
    %dma_start3A_15 = arith.constant 0 : i32
    %dma_start3A_16 = arith.constant 0 : i32
    %dma_start3A_17 = tpu.memref_slice %arg3[%dma_start3A_15, %dma_start3A_16] : memref<100000x64xf32, #tpu.memory_space<hbm>> -> memref<100000x64xf32, #tpu.memory_space<hbm>>
    tpu.enqueue_indirect_dma source(%dma_start3A_17 : memref<100000x64xf32, #tpu.memory_space<hbm>>) target(%dma_start3A_12 : memref<80x64xf32, #tpu.memory_space<vmem>>) offsets(%dma_start3A_14 : memref<80xi32, #tpu.memory_space<vmem>>) semaphore(%arg8 : memref<!tpu.dma_semaphore, #tpu.memory_space<semaphore_mem>>)
    %dma_start3A_18 = arith.constant 160 : i32
    %dma_start3A_19 = arith.constant 0 : i32
    %dma_start3A_20 = tpu.memref_slice %arg6[%dma_start3A_18, %dma_start3A_19] : memref<320x64xf32, #tpu.memory_space<vmem>> -> memref<80x64xf32, #tpu.memory_space<vmem>>
    %dma_start3A_21 = arith.constant 160 : i32
    %dma_start3A_22 = tpu.memref_slice %arg5[%dma_start3A_21] : memref<320xi32, #tpu.memory_space<vmem>> -> memref<80xi32, #tpu.memory_space<vmem>>
    %dma_start3A_23 = arith.constant 0 : i32
    %dma_start3A_24 = arith.constant 0 : i32
    %dma_start3A_25 = tpu.memref_slice %arg3[%dma_start3A_23, %dma_start3A_24] : memref<100000x64xf32, #tpu.memory_space<hbm>> -> memref<100000x64xf32, #tpu.memory_space<hbm>>
    tpu.enqueue_indirect_dma source(%dma_start3A_25 : memref<100000x64xf32, #tpu.memory_space<hbm>>) target(%dma_start3A_20 : memref<80x64xf32, #tpu.memory_space<vmem>>) offsets(%dma_start3A_22 : memref<80xi32, #tpu.memory_space<vmem>>) semaphore(%arg8 : memref<!tpu.dma_semaphore, #tpu.memory_space<semaphore_mem>>)
    %dma_start3A_26 = arith.constant 240 : i32
    %dma_start3A_27 = arith.constant 0 : i32
    %dma_start3A_28 = tpu.memref_slice %arg6[%dma_start3A_26, %dma_start3A_27] : memref<320x64xf32, #tpu.memory_space<vmem>> -> memref<80x64xf32, #tpu.memory_space<vmem>>
    %dma_start3A_29 = arith.constant 240 : i32
    %dma_start3A_30 = tpu.memref_slice %arg5[%dma_start3A_29] : memref<320xi32, #tpu.memory_space<vmem>> -> memref<80xi32, #tpu.memory_space<vmem>>
    %dma_start3A_31 = arith.constant 0 : i32
    %dma_start3A_32 = arith.constant 0 : i32
    %dma_start3A_33 = tpu.memref_slice %arg3[%dma_start3A_31, %dma_start3A_32] : memref<100000x64xf32, #tpu.memory_space<hbm>> -> memref<100000x64xf32, #tpu.memory_space<hbm>>
    tpu.enqueue_indirect_dma source(%dma_start3A_33 : memref<100000x64xf32, #tpu.memory_space<hbm>>) target(%dma_start3A_28 : memref<80x64xf32, #tpu.memory_space<vmem>>) offsets(%dma_start3A_30 : memref<80xi32, #tpu.memory_space<vmem>>) semaphore(%arg8 : memref<!tpu.dma_semaphore, #tpu.memory_space<semaphore_mem>>)
    %dma_wait3A = arith.constant 0 : i32
    %dma_wait3A_34 = arith.constant 0 : i32
    %dma_wait3A_35 = tpu.memref_slice %arg6[%dma_wait3A, %dma_wait3A_34] : memref<320x64xf32, #tpu.memory_space<vmem>> -> memref<80x64xf32, #tpu.memory_space<vmem>>
    %dma_wait3A_36 = arith.constant 0 : i32
    %dma_wait3A_37 = tpu.memref_slice %arg5[%dma_wait3A_36] : memref<320xi32, #tpu.memory_space<vmem>> -> memref<80xi32, #tpu.memory_space<vmem>>
    %dma_wait3A_38 = arith.constant 0 : i32
    %dma_wait3A_39 = arith.constant 0 : i32
    %dma_wait3A_40 = tpu.memref_slice %arg3[%dma_wait3A_38, %dma_wait3A_39] : memref<100000x64xf32, #tpu.memory_space<hbm>> -> memref<100000x64xf32, #tpu.memory_space<hbm>>
    tpu.wait_indirect_dma semaphore(%arg8 : memref<!tpu.dma_semaphore, #tpu.memory_space<semaphore_mem>>) src(%dma_wait3A_40 : memref<100000x64xf32, #tpu.memory_space<hbm>>) dst(%dma_wait3A_35 : memref<80x64xf32, #tpu.memory_space<vmem>>)
    %dma_wait3A_41 = arith.constant 80 : i32
    %dma_wait3A_42 = arith.constant 0 : i32
    %dma_wait3A_43 = tpu.memref_slice %arg6[%dma_wait3A_41, %dma_wait3A_42] : memref<320x64xf32, #tpu.memory_space<vmem>> -> memref<80x64xf32, #tpu.memory_space<vmem>>
    %dma_wait3A_44 = arith.constant 80 : i32
    %dma_wait3A_45 = tpu.memref_slice %arg5[%dma_wait3A_44] : memref<320xi32, #tpu.memory_space<vmem>> -> memref<80xi32, #tpu.memory_space<vmem>>
    %dma_wait3A_46 = arith.constant 0 : i32
    %dma_wait3A_47 = arith.constant 0 : i32
    %dma_wait3A_48 = tpu.memref_slice %arg3[%dma_wait3A_46, %dma_wait3A_47] : memref<100000x64xf32, #tpu.memory_space<hbm>> -> memref<100000x64xf32, #tpu.memory_space<hbm>>
    tpu.wait_indirect_dma semaphore(%arg8 : memref<!tpu.dma_semaphore, #tpu.memory_space<semaphore_mem>>) src(%dma_wait3A_48 : memref<100000x64xf32, #tpu.memory_space<hbm>>) dst(%dma_wait3A_43 : memref<80x64xf32, #tpu.memory_space<vmem>>)
    %dma_wait3A_49 = arith.constant 160 : i32
    %dma_wait3A_50 = arith.constant 0 : i32
    %dma_wait3A_51 = tpu.memref_slice %arg6[%dma_wait3A_49, %dma_wait3A_50] : memref<320x64xf32, #tpu.memory_space<vmem>> -> memref<80x64xf32, #tpu.memory_space<vmem>>
    %dma_wait3A_52 = arith.constant 160 : i32
    %dma_wait3A_53 = tpu.memref_slice %arg5[%dma_wait3A_52] : memref<320xi32, #tpu.memory_space<vmem>> -> memref<80xi32, #tpu.memory_space<vmem>>
    %dma_wait3A_54 = arith.constant 0 : i32
    %dma_wait3A_55 = arith.constant 0 : i32
    %dma_wait3A_56 = tpu.memref_slice %arg3[%dma_wait3A_54, %dma_wait3A_55] : memref<100000x64xf32, #tpu.memory_space<hbm>> -> memref<100000x64xf32, #tpu.memory_space<hbm>>
    tpu.wait_indirect_dma semaphore(%arg8 : memref<!tpu.dma_semaphore, #tpu.memory_space<semaphore_mem>>) src(%dma_wait3A_56 : memref<100000x64xf32, #tpu.memory_space<hbm>>) dst(%dma_wait3A_51 : memref<80x64xf32, #tpu.memory_space<vmem>>)
    %dma_wait3A_57 = arith.constant 240 : i32
    %dma_wait3A_58 = arith.constant 0 : i32
    %dma_wait3A_59 = tpu.memref_slice %arg6[%dma_wait3A_57, %dma_wait3A_58] : memref<320x64xf32, #tpu.memory_space<vmem>> -> memref<80x64xf32, #tpu.memory_space<vmem>>
    %dma_wait3A_60 = arith.constant 240 : i32
    %dma_wait3A_61 = tpu.memref_slice %arg5[%dma_wait3A_60] : memref<320xi32, #tpu.memory_space<vmem>> -> memref<80xi32, #tpu.memory_space<vmem>>
    %dma_wait3A_62 = arith.constant 0 : i32
    %dma_wait3A_63 = arith.constant 0 : i32
    %dma_wait3A_64 = tpu.memref_slice %arg3[%dma_wait3A_62, %dma_wait3A_63] : memref<100000x64xf32, #tpu.memory_space<hbm>> -> memref<100000x64xf32, #tpu.memory_space<hbm>>
    tpu.wait_indirect_dma semaphore(%arg8 : memref<!tpu.dma_semaphore, #tpu.memory_space<semaphore_mem>>) src(%dma_wait3A_64 : memref<100000x64xf32, #tpu.memory_space<hbm>>) dst(%dma_wait3A_59 : memref<80x64xf32, #tpu.memory_space<vmem>>)
    %scan3A = arith.constant 0 : i32
    %scan3A_65 = arith.constant 0 : i32
    %scan3A_66 = arith.constant 32 : i32
    %scan3A_67 = arith.addi %scan3A_65, %scan3A_66 : i32
    %scan3A_68 = arith.constant 1 : i32
    scf.for %scan3A_72 = %scan3A_65 to %scan3A_67 step %scan3A_68  : i32 {
      %mul3A_73 = arith.constant 10 : i32
      %mul3A_74 = arith.muli %scan3A_72, %mul3A_73 : i32
      %get3A = arith.index_cast %mul3A_74 : i32 to index
      %get3A_75 = arith.constant 0 : index
      %get3A_76 = tpu.vector_load %arg6[%get3A, %get3A_75] {strides = array<i32>} : memref<320x64xf32, #tpu.memory_space<vmem>>, vector<1x16xf32>,
      %get3A_77 = vector.shape_cast %get3A_76 : vector<1x16xf32> to vector<16xf32>
      %mul3A_78 = arith.constant 10 : i32
      %mul3A_79 = arith.muli %scan3A_72, %mul3A_78 : i32
      %add3A_80 = arith.constant 1 : i32
      %add3A_81 = arith.addi %mul3A_79, %add3A_80 : i32
      %get3A_82 = arith.index_cast %add3A_81 : i32 to index
      %get3A_83 = arith.constant 0 : index
      %get3A_84 = tpu.vector_load %arg6[%get3A_82, %get3A_83] {strides = array<i32>} : memref<320x64xf32, #tpu.memory_space<vmem>>, vector<1x16xf32>,
      %get3A_85 = vector.shape_cast %get3A_84 : vector<1x16xf32> to vector<16xf32>
      %add3A_86 = arith.addf %get3A_77, %get3A_85 : vector<16xf32>
      %mul3A_87 = arith.constant 10 : i32
      %mul3A_88 = arith.muli %scan3A_72, %mul3A_87 : i32
      %add3A_89 = arith.constant 2 : i32
      %add3A_90 = arith.addi %mul3A_88, %add3A_89 : i32
      %get3A_91 = arith.index_cast %add3A_90 : i32 to index
      %get3A_92 = arith.constant 0 : index
      %get3A_93 = tpu.vector_load %arg6[%get3A_91, %get3A_92] {strides = array<i32>} : memref<320x64xf32, #tpu.memory_space<vmem>>, vector<1x16xf32>,
      %get3A_94 = vector.shape_cast %get3A_93 : vector<1x16xf32> to vector<16xf32>
      %add3A_95 = arith.addf %add3A_86, %get3A_94 : vector<16xf32>
      %mul3A_96 = arith.constant 10 : i32
      %mul3A_97 = arith.muli %scan3A_72, %mul3A_96 : i32
      %add3A_98 = arith.constant 3 : i32
      %add3A_99 = arith.addi %mul3A_97, %add3A_98 : i32
      %get3A_100 = arith.index_cast %add3A_99 : i32 to index
      %get3A_101 = arith.constant 0 : index
      %get3A_102 = tpu.vector_load %arg6[%get3A_100, %get3A_101] {strides = array<i32>} : memref<320x64xf32, #tpu.memory_space<vmem>>, vector<1x16xf32>,
      %get3A_103 = vector.shape_cast %get3A_102 : vector<1x16xf32> to vector<16xf32>
      %add3A_104 = arith.addf %add3A_95, %get3A_103 : vector<16xf32>
      %mul3A_105 = arith.constant 10 : i32
      %mul3A_106 = arith.muli %scan3A_72, %mul3A_105 : i32
      %add3A_107 = arith.constant 4 : i32
      %add3A_108 = arith.addi %mul3A_106, %add3A_107 : i32
      %get3A_109 = arith.index_cast %add3A_108 : i32 to index
      %get3A_110 = arith.constant 0 : index
      %get3A_111 = tpu.vector_load %arg6[%get3A_109, %get3A_110] {strides = array<i32>} : memref<320x64xf32, #tpu.memory_space<vmem>>, vector<1x16xf32>,
      %get3A_112 = vector.shape_cast %get3A_111 : vector<1x16xf32> to vector<16xf32>
      %add3A_113 = arith.addf %add3A_104, %get3A_112 : vector<16xf32>
      %mul3A_114 = arith.constant 10 : i32
      %mul3A_115 = arith.muli %scan3A_72, %mul3A_114 : i32
      %add3A_116 = arith.constant 5 : i32
      %add3A_117 = arith.addi %mul3A_115, %add3A_116 : i32
      %get3A_118 = arith.index_cast %add3A_117 : i32 to index
      %get3A_119 = arith.constant 0 : index
      %get3A_120 = tpu.vector_load %arg6[%get3A_118, %get3A_119] {strides = array<i32>} : memref<320x64xf32, #tpu.memory_space<vmem>>, vector<1x16xf32>,
      %get3A_121 = vector.shape_cast %get3A_120 : vector<1x16xf32> to vector<16xf32>
      %add3A_122 = arith.addf %add3A_113, %get3A_121 : vector<16xf32>
      %mul3A_123 = arith.constant 10 : i32
      %mul3A_124 = arith.muli %scan3A_72, %mul3A_123 : i32
      %add3A_125 = arith.constant 6 : i32
      %add3A_126 = arith.addi %mul3A_124, %add3A_125 : i32
      %get3A_127 = arith.index_cast %add3A_126 : i32 to index
      %get3A_128 = arith.constant 0 : index
      %get3A_129 = tpu.vector_load %arg6[%get3A_127, %get3A_128] {strides = array<i32>} : memref<320x64xf32, #tpu.memory_space<vmem>>, vector<1x16xf32>,
      %get3A_130 = vector.shape_cast %get3A_129 : vector<1x16xf32> to vector<16xf32>
      %add3A_131 = arith.addf %add3A_122, %get3A_130 : vector<16xf32>
      %mul3A_132 = arith.constant 10 : i32
      %mul3A_133 = arith.muli %scan3A_72, %mul3A_132 : i32
      %add3A_134 = arith.constant 7 : i32
      %add3A_135 = arith.addi %mul3A_133, %add3A_134 : i32
      %get3A_136 = arith.index_cast %add3A_135 : i32 to index
      %get3A_137 = arith.constant 0 : index
      %get3A_138 = tpu.vector_load %arg6[%get3A_136, %get3A_137] {strides = array<i32>} : memref<320x64xf32, #tpu.memory_space<vmem>>, vector<1x16xf32>,
      %get3A_139 = vector.shape_cast %get3A_138 : vector<1x16xf32> to vector<16xf32>
      %add3A_140 = arith.addf %add3A_131, %get3A_139 : vector<16xf32>
      %mul3A_141 = arith.constant 10 : i32
      %mul3A_142 = arith.muli %scan3A_72, %mul3A_141 : i32
      %add3A_143 = arith.constant 8 : i32
      %add3A_144 = arith.addi %mul3A_142, %add3A_143 : i32
      %get3A_145 = arith.index_cast %add3A_144 : i32 to index
      %get3A_146 = arith.constant 0 : index
      %get3A_147 = tpu.vector_load %arg6[%get3A_145, %get3A_146] {strides = array<i32>} : memref<320x64xf32, #tpu.memory_space<vmem>>, vector<1x16xf32>,
      %get3A_148 = vector.shape_cast %get3A_147 : vector<1x16xf32> to vector<16xf32>
      %add3A_149 = arith.addf %add3A_140, %get3A_148 : vector<16xf32>
      %mul3A_150 = arith.constant 10 : i32
      %mul3A_151 = arith.muli %scan3A_72, %mul3A_150 : i32
      %add3A_152 = arith.constant 9 : i32
      %add3A_153 = arith.addi %mul3A_151, %add3A_152 : i32
      %get3A_154 = arith.index_cast %add3A_153 : i32 to index
      %get3A_155 = arith.constant 0 : index
      %get3A_156 = tpu.vector_load %arg6[%get3A_154, %get3A_155] {strides = array<i32>} : memref<320x64xf32, #tpu.memory_space<vmem>>, vector<1x16xf32>,
      %get3A_157 = vector.shape_cast %get3A_156 : vector<1x16xf32> to vector<16xf32>
      %add3A_158 = arith.addf %add3A_149, %get3A_157 : vector<16xf32>
      %swap3A = arith.index_cast %scan3A_72 : i32 to index
      %swap3A_159 = arith.constant 0 : index
      %swap3A_160 = tpu.vector_load %arg7[%swap3A, %swap3A_159] {strides = array<i32>} : memref<32x64xf32, #tpu.memory_space<vmem>>, vector<1x16xf32>,
      %swap3A_161 = vector.shape_cast %swap3A_160 : vector<1x16xf32> to vector<16xf32>
      %swap3A_162 = vector.shape_cast %add3A_158 : vector<16xf32> to vector<1x16xf32>
      tpu.vector_store %arg7[%swap3A, %swap3A_159], %swap3A_162 {strides = array<i32>} : memref<32x64xf32, #tpu.memory_space<vmem>>, vector<1x16xf32>,
      %mul3A_163 = arith.constant 10 : i32
      %mul3A_164 = arith.muli %scan3A_72, %mul3A_163 : i32
      %get3A_165 = arith.index_cast %mul3A_164 : i32 to index
      %get3A_166 = arith.constant 16 : index
      %get3A_167 = tpu.vector_load %arg6[%get3A_165, %get3A_166] {strides = array<i32>} : memref<320x64xf32, #tpu.memory_space<vmem>>, vector<1x16xf32>,
      %get3A_168 = vector.shape_cast %get3A_167 : vector<1x16xf32> to vector<16xf32>
      %mul3A_169 = arith.constant 10 : i32
      %mul3A_170 = arith.muli %scan3A_72, %mul3A_169 : i32
      %add3A_171 = arith.constant 1 : i32
      %add3A_172 = arith.addi %mul3A_170, %add3A_171 : i32
      %get3A_173 = arith.index_cast %add3A_172 : i32 to index
      %get3A_174 = arith.constant 16 : index
      %get3A_175 = tpu.vector_load %arg6[%get3A_173, %get3A_174] {strides = array<i32>} : memref<320x64xf32, #tpu.memory_space<vmem>>, vector<1x16xf32>,
      %get3A_176 = vector.shape_cast %get3A_175 : vector<1x16xf32> to vector<16xf32>
      %add3A_177 = arith.addf %get3A_168, %get3A_176 : vector<16xf32>
      %mul3A_178 = arith.constant 10 : i32
      %mul3A_179 = arith.muli %scan3A_72, %mul3A_178 : i32
      %add3A_180 = arith.constant 2 : i32
      %add3A_181 = arith.addi %mul3A_179, %add3A_180 : i32
      %get3A_182 = arith.index_cast %add3A_181 : i32 to index
      %get3A_183 = arith.constant 16 : index
      %get3A_184 = tpu.vector_load %arg6[%get3A_182, %get3A_183] {strides = array<i32>} : memref<320x64xf32, #tpu.memory_space<vmem>>, vector<1x16xf32>,
      %get3A_185 = vector.shape_cast %get3A_184 : vector<1x16xf32> to vector<16xf32>
      %add3A_186 = arith.addf %add3A_177, %get3A_185 : vector<16xf32>
      %mul3A_187 = arith.constant 10 : i32
      %mul3A_188 = arith.muli %scan3A_72, %mul3A_187 : i32
      %add3A_189 = arith.constant 3 : i32
      %add3A_190 = arith.addi %mul3A_188, %add3A_189 : i32
      %get3A_191 = arith.index_cast %add3A_190 : i32 to index
      %get3A_192 = arith.constant 16 : index
      %get3A_193 = tpu.vector_load %arg6[%get3A_191, %get3A_192] {strides = array<i32>} : memref<320x64xf32, #tpu.memory_space<vmem>>, vector<1x16xf32>,
      %get3A_194 = vector.shape_cast %get3A_193 : vector<1x16xf32> to vector<16xf32>
      %add3A_195 = arith.addf %add3A_186, %get3A_194 : vector<16xf32>
      %mul3A_196 = arith.constant 10 : i32
      %mul3A_197 = arith.muli %scan3A_72, %mul3A_196 : i32
      %add3A_198 = arith.constant 4 : i32
      %add3A_199 = arith.addi %mul3A_197, %add3A_198 : i32
      %get3A_200 = arith.index_cast %add3A_199 : i32 to index
      %get3A_201 = arith.constant 16 : index
      %get3A_202 = tpu.vector_load %arg6[%get3A_200, %get3A_201] {strides = array<i32>} : memref<320x64xf32, #tpu.memory_space<vmem>>, vector<1x16xf32>,
      %get3A_203 = vector.shape_cast %get3A_202 : vector<1x16xf32> to vector<16xf32>
      %add3A_204 = arith.addf %add3A_195, %get3A_203 : vector<16xf32>
      %mul3A_205 = arith.constant 10 : i32
      %mul3A_206 = arith.muli %scan3A_72, %mul3A_205 : i32
      %add3A_207 = arith.constant 5 : i32
      %add3A_208 = arith.addi %mul3A_206, %add3A_207 : i32
      %get3A_209 = arith.index_cast %add3A_208 : i32 to index
      %get3A_210 = arith.constant 16 : index
      %get3A_211 = tpu.vector_load %arg6[%get3A_209, %get3A_210] {strides = array<i32>} : memref<320x64xf32, #tpu.memory_space<vmem>>, vector<1x16xf32>,
      %get3A_212 = vector.shape_cast %get3A_211 : vector<1x16xf32> to vector<16xf32>
      %add3A_213 = arith.addf %add3A_204, %get3A_212 : vector<16xf32>
      %mul3A_214 = arith.constant 10 : i32
      %mul3A_215 = arith.muli %scan3A_72, %mul3A_214 : i32
      %add3A_216 = arith.constant 6 : i32
      %add3A_217 = arith.addi %mul3A_215, %add3A_216 : i32
      %get3A_218 = arith.index_cast %add3A_217 : i32 to index
      %get3A_219 = arith.constant 16 : index
      %get3A_220 = tpu.vector_load %arg6[%get3A_218, %get3A_219] {strides = array<i32>} : memref<320x64xf32, #tpu.memory_space<vmem>>, vector<1x16xf32>,
      %get3A_221 = vector.shape_cast %get3A_220 : vector<1x16xf32> to vector<16xf32>
      %add3A_222 = arith.addf %add3A_213, %get3A_221 : vector<16xf32>
      %mul3A_223 = arith.constant 10 : i32
      %mul3A_224 = arith.muli %scan3A_72, %mul3A_223 : i32
      %add3A_225 = arith.constant 7 : i32
      %add3A_226 = arith.addi %mul3A_224, %add3A_225 : i32
      %get3A_227 = arith.index_cast %add3A_226 : i32 to index
      %get3A_228 = arith.constant 16 : index
      %get3A_229 = tpu.vector_load %arg6[%get3A_227, %get3A_228] {strides = array<i32>} : memref<320x64xf32, #tpu.memory_space<vmem>>, vector<1x16xf32>,
      %get3A_230 = vector.shape_cast %get3A_229 : vector<1x16xf32> to vector<16xf32>
      %add3A_231 = arith.addf %add3A_222, %get3A_230 : vector<16xf32>
      %mul3A_232 = arith.constant 10 : i32
      %mul3A_233 = arith.muli %scan3A_72, %mul3A_232 : i32
      %add3A_234 = arith.constant 8 : i32
      %add3A_235 = arith.addi %mul3A_233, %add3A_234 : i32
      %get3A_236 = arith.index_cast %add3A_235 : i32 to index
      %get3A_237 = arith.constant 16 : index
      %get3A_238 = tpu.vector_load %arg6[%get3A_236, %get3A_237] {strides = array<i32>} : memref<320x64xf32, #tpu.memory_space<vmem>>, vector<1x16xf32>,
      %get3A_239 = vector.shape_cast %get3A_238 : vector<1x16xf32> to vector<16xf32>
      %add3A_240 = arith.addf %add3A_231, %get3A_239 : vector<16xf32>
      %mul3A_241 = arith.constant 10 : i32
      %mul3A_242 = arith.muli %scan3A_72, %mul3A_241 : i32
      %add3A_243 = arith.constant 9 : i32
      %add3A_244 = arith.addi %mul3A_242, %add3A_243 : i32
      %get3A_245 = arith.index_cast %add3A_244 : i32 to index
      %get3A_246 = arith.constant 16 : index
      %get3A_247 = tpu.vector_load %arg6[%get3A_245, %get3A_246] {strides = array<i32>} : memref<320x64xf32, #tpu.memory_space<vmem>>, vector<1x16xf32>,
      %get3A_248 = vector.shape_cast %get3A_247 : vector<1x16xf32> to vector<16xf32>
      %add3A_249 = arith.addf %add3A_240, %get3A_248 : vector<16xf32>
      %swap3A_250 = arith.index_cast %scan3A_72 : i32 to index
      %swap3A_251 = arith.constant 16 : index
      %swap3A_252 = tpu.vector_load %arg7[%swap3A_250, %swap3A_251] {strides = array<i32>} : memref<32x64xf32, #tpu.memory_space<vmem>>, vector<1x16xf32>,
      %swap3A_253 = vector.shape_cast %swap3A_252 : vector<1x16xf32> to vector<16xf32>
      %swap3A_254 = vector.shape_cast %add3A_249 : vector<16xf32> to vector<1x16xf32>
      tpu.vector_store %arg7[%swap3A_250, %swap3A_251], %swap3A_254 {strides = array<i32>} : memref<32x64xf32, #tpu.memory_space<vmem>>, vector<1x16xf32>,
      %mul3A_255 = arith.constant 10 : i32
      %mul3A_256 = arith.muli %scan3A_72, %mul3A_255 : i32
      %get3A_257 = arith.index_cast %mul3A_256 : i32 to index
      %get3A_258 = arith.constant 32 : index
      %get3A_259 = tpu.vector_load %arg6[%get3A_257, %get3A_258] {strides = array<i32>} : memref<320x64xf32, #tpu.memory_space<vmem>>, vector<1x16xf32>,
      %get3A_260 = vector.shape_cast %get3A_259 : vector<1x16xf32> to vector<16xf32>
      %mul3A_261 = arith.constant 10 : i32
      %mul3A_262 = arith.muli %scan3A_72, %mul3A_261 : i32
      %add3A_263 = arith.constant 1 : i32
      %add3A_264 = arith.addi %mul3A_262, %add3A_263 : i32
      %get3A_265 = arith.index_cast %add3A_264 : i32 to index
      %get3A_266 = arith.constant 32 : index
      %get3A_267 = tpu.vector_load %arg6[%get3A_265, %get3A_266] {strides = array<i32>} : memref<320x64xf32, #tpu.memory_space<vmem>>, vector<1x16xf32>,
      %get3A_268 = vector.shape_cast %get3A_267 : vector<1x16xf32> to vector<16xf32>
      %add3A_269 = arith.addf %get3A_260, %get3A_268 : vector<16xf32>
      %mul3A_270 = arith.constant 10 : i32
      %mul3A_271 = arith.muli %scan3A_72, %mul3A_270 : i32
      %add3A_272 = arith.constant 2 : i32
      %add3A_273 = arith.addi %mul3A_271, %add3A_272 : i32
      %get3A_274 = arith.index_cast %add3A_273 : i32 to index
      %get3A_275 = arith.constant 32 : index
      %get3A_276 = tpu.vector_load %arg6[%get3A_274, %get3A_275] {strides = array<i32>} : memref<320x64xf32, #tpu.memory_space<vmem>>, vector<1x16xf32>,
      %get3A_277 = vector.shape_cast %get3A_276 : vector<1x16xf32> to vector<16xf32>
      %add3A_278 = arith.addf %add3A_269, %get3A_277 : vector<16xf32>
      %mul3A_279 = arith.constant 10 : i32
      %mul3A_280 = arith.muli %scan3A_72, %mul3A_279 : i32
      %add3A_281 = arith.constant 3 : i32
      %add3A_282 = arith.addi %mul3A_280, %add3A_281 : i32
      %get3A_283 = arith.index_cast %add3A_282 : i32 to index
      %get3A_284 = arith.constant 32 : index
      %get3A_285 = tpu.vector_load %arg6[%get3A_283, %get3A_284] {strides = array<i32>} : memref<320x64xf32, #tpu.memory_space<vmem>>, vector<1x16xf32>,
      %get3A_286 = vector.shape_cast %get3A_285 : vector<1x16xf32> to vector<16xf32>
      %add3A_287 = arith.addf %add3A_278, %get3A_286 : vector<16xf32>
      %mul3A_288 = arith.constant 10 : i32
      %mul3A_289 = arith.muli %scan3A_72, %mul3A_288 : i32
      %add3A_290 = arith.constant 4 : i32
      %add3A_291 = arith.addi %mul3A_289, %add3A_290 : i32
      %get3A_292 = arith.index_cast %add3A_291 : i32 to index
      %get3A_293 = arith.constant 32 : index
      %get3A_294 = tpu.vector_load %arg6[%get3A_292, %get3A_293] {strides = array<i32>} : memref<320x64xf32, #tpu.memory_space<vmem>>, vector<1x16xf32>,
      %get3A_295 = vector.shape_cast %get3A_294 : vector<1x16xf32> to vector<16xf32>
      %add3A_296 = arith.addf %add3A_287, %get3A_295 : vector<16xf32>
      %mul3A_297 = arith.constant 10 : i32
      %mul3A_298 = arith.muli %scan3A_72, %mul3A_297 : i32
      %add3A_299 = arith.constant 5 : i32
      %add3A_300 = arith.addi %mul3A_298, %add3A_299 : i32
      %get3A_301 = arith.index_cast %add3A_300 : i32 to index
      %get3A_302 = arith.constant 32 : index
      %get3A_303 = tpu.vector_load %arg6[%get3A_301, %get3A_302] {strides = array<i32>} : memref<320x64xf32, #tpu.memory_space<vmem>>, vector<1x16xf32>,
      %get3A_304 = vector.shape_cast %get3A_303 : vector<1x16xf32> to vector<16xf32>
      %add3A_305 = arith.addf %add3A_296, %get3A_304 : vector<16xf32>
      %mul3A_306 = arith.constant 10 : i32
      %mul3A_307 = arith.muli %scan3A_72, %mul3A_306 : i32
      %add3A_308 = arith.constant 6 : i32
      %add3A_309 = arith.addi %mul3A_307, %add3A_308 : i32
      %get3A_310 = arith.index_cast %add3A_309 : i32 to index
      %get3A_311 = arith.constant 32 : index
      %get3A_312 = tpu.vector_load %arg6[%get3A_310, %get3A_311] {strides = array<i32>} : memref<320x64xf32, #tpu.memory_space<vmem>>, vector<1x16xf32>,
      %get3A_313 = vector.shape_cast %get3A_312 : vector<1x16xf32> to vector<16xf32>
      %add3A_314 = arith.addf %add3A_305, %get3A_313 : vector<16xf32>
      %mul3A_315 = arith.constant 10 : i32
      %mul3A_316 = arith.muli %scan3A_72, %mul3A_315 : i32
      %add3A_317 = arith.constant 7 : i32
      %add3A_318 = arith.addi %mul3A_316, %add3A_317 : i32
      %get3A_319 = arith.index_cast %add3A_318 : i32 to index
      %get3A_320 = arith.constant 32 : index
      %get3A_321 = tpu.vector_load %arg6[%get3A_319, %get3A_320] {strides = array<i32>} : memref<320x64xf32, #tpu.memory_space<vmem>>, vector<1x16xf32>,
      %get3A_322 = vector.shape_cast %get3A_321 : vector<1x16xf32> to vector<16xf32>
      %add3A_323 = arith.addf %add3A_314, %get3A_322 : vector<16xf32>
      %mul3A_324 = arith.constant 10 : i32
      %mul3A_325 = arith.muli %scan3A_72, %mul3A_324 : i32
      %add3A_326 = arith.constant 8 : i32
      %add3A_327 = arith.addi %mul3A_325, %add3A_326 : i32
      %get3A_328 = arith.index_cast %add3A_327 : i32 to index
      %get3A_329 = arith.constant 32 : index
      %get3A_330 = tpu.vector_load %arg6[%get3A_328, %get3A_329] {strides = array<i32>} : memref<320x64xf32, #tpu.memory_space<vmem>>, vector<1x16xf32>,
      %get3A_331 = vector.shape_cast %get3A_330 : vector<1x16xf32> to vector<16xf32>
      %add3A_332 = arith.addf %add3A_323, %get3A_331 : vector<16xf32>
      %mul3A_333 = arith.constant 10 : i32
      %mul3A_334 = arith.muli %scan3A_72, %mul3A_333 : i32
      %add3A_335 = arith.constant 9 : i32
      %add3A_336 = arith.addi %mul3A_334, %add3A_335 : i32
      %get3A_337 = arith.index_cast %add3A_336 : i32 to index
      %get3A_338 = arith.constant 32 : index
      %get3A_339 = tpu.vector_load %arg6[%get3A_337, %get3A_338] {strides = array<i32>} : memref<320x64xf32, #tpu.memory_space<vmem>>, vector<1x16xf32>,
      %get3A_340 = vector.shape_cast %get3A_339 : vector<1x16xf32> to vector<16xf32>
      %add3A_341 = arith.addf %add3A_332, %get3A_340 : vector<16xf32>
      %swap3A_342 = arith.index_cast %scan3A_72 : i32 to index
      %swap3A_343 = arith.constant 32 : index
      %swap3A_344 = tpu.vector_load %arg7[%swap3A_342, %swap3A_343] {strides = array<i32>} : memref<32x64xf32, #tpu.memory_space<vmem>>, vector<1x16xf32>,
      %swap3A_345 = vector.shape_cast %swap3A_344 : vector<1x16xf32> to vector<16xf32>
      %swap3A_346 = vector.shape_cast %add3A_341 : vector<16xf32> to vector<1x16xf32>
      tpu.vector_store %arg7[%swap3A_342, %swap3A_343], %swap3A_346 {strides = array<i32>} : memref<32x64xf32, #tpu.memory_space<vmem>>, vector<1x16xf32>,
      %mul3A_347 = arith.constant 10 : i32
      %mul3A_348 = arith.muli %scan3A_72, %mul3A_347 : i32
      %get3A_349 = arith.index_cast %mul3A_348 : i32 to index
      %get3A_350 = arith.constant 48 : index
      %get3A_351 = tpu.vector_load %arg6[%get3A_349, %get3A_350] {strides = array<i32>} : memref<320x64xf32, #tpu.memory_space<vmem>>, vector<1x16xf32>,
      %get3A_352 = vector.shape_cast %get3A_351 : vector<1x16xf32> to vector<16xf32>
      %mul3A_353 = arith.constant 10 : i32
      %mul3A_354 = arith.muli %scan3A_72, %mul3A_353 : i32
      %add3A_355 = arith.constant 1 : i32
      %add3A_356 = arith.addi %mul3A_354, %add3A_355 : i32
      %get3A_357 = arith.index_cast %add3A_356 : i32 to index
      %get3A_358 = arith.constant 48 : index
      %get3A_359 = tpu.vector_load %arg6[%get3A_357, %get3A_358] {strides = array<i32>} : memref<320x64xf32, #tpu.memory_space<vmem>>, vector<1x16xf32>,
      %get3A_360 = vector.shape_cast %get3A_359 : vector<1x16xf32> to vector<16xf32>
      %add3A_361 = arith.addf %get3A_352, %get3A_360 : vector<16xf32>
      %mul3A_362 = arith.constant 10 : i32
      %mul3A_363 = arith.muli %scan3A_72, %mul3A_362 : i32
      %add3A_364 = arith.constant 2 : i32
      %add3A_365 = arith.addi %mul3A_363, %add3A_364 : i32
      %get3A_366 = arith.index_cast %add3A_365 : i32 to index
      %get3A_367 = arith.constant 48 : index
      %get3A_368 = tpu.vector_load %arg6[%get3A_366, %get3A_367] {strides = array<i32>} : memref<320x64xf32, #tpu.memory_space<vmem>>, vector<1x16xf32>,
      %get3A_369 = vector.shape_cast %get3A_368 : vector<1x16xf32> to vector<16xf32>
      %add3A_370 = arith.addf %add3A_361, %get3A_369 : vector<16xf32>
      %mul3A_371 = arith.constant 10 : i32
      %mul3A_372 = arith.muli %scan3A_72, %mul3A_371 : i32
      %add3A_373 = arith.constant 3 : i32
      %add3A_374 = arith.addi %mul3A_372, %add3A_373 : i32
      %get3A_375 = arith.index_cast %add3A_374 : i32 to index
      %get3A_376 = arith.constant 48 : index
      %get3A_377 = tpu.vector_load %arg6[%get3A_375, %get3A_376] {strides = array<i32>} : memref<320x64xf32, #tpu.memory_space<vmem>>, vector<1x16xf32>,
      %get3A_378 = vector.shape_cast %get3A_377 : vector<1x16xf32> to vector<16xf32>
      %add3A_379 = arith.addf %add3A_370, %get3A_378 : vector<16xf32>
      %mul3A_380 = arith.constant 10 : i32
      %mul3A_381 = arith.muli %scan3A_72, %mul3A_380 : i32
      %add3A_382 = arith.constant 4 : i32
      %add3A_383 = arith.addi %mul3A_381, %add3A_382 : i32
      %get3A_384 = arith.index_cast %add3A_383 : i32 to index
      %get3A_385 = arith.constant 48 : index
      %get3A_386 = tpu.vector_load %arg6[%get3A_384, %get3A_385] {strides = array<i32>} : memref<320x64xf32, #tpu.memory_space<vmem>>, vector<1x16xf32>,
      %get3A_387 = vector.shape_cast %get3A_386 : vector<1x16xf32> to vector<16xf32>
      %add3A_388 = arith.addf %add3A_379, %get3A_387 : vector<16xf32>
      %mul3A_389 = arith.constant 10 : i32
      %mul3A_390 = arith.muli %scan3A_72, %mul3A_389 : i32
      %add3A_391 = arith.constant 5 : i32
      %add3A_392 = arith.addi %mul3A_390, %add3A_391 : i32
      %get3A_393 = arith.index_cast %add3A_392 : i32 to index
      %get3A_394 = arith.constant 48 : index
      %get3A_395 = tpu.vector_load %arg6[%get3A_393, %get3A_394] {strides = array<i32>} : memref<320x64xf32, #tpu.memory_space<vmem>>, vector<1x16xf32>,
      %get3A_396 = vector.shape_cast %get3A_395 : vector<1x16xf32> to vector<16xf32>
      %add3A_397 = arith.addf %add3A_388, %get3A_396 : vector<16xf32>
      %mul3A_398 = arith.constant 10 : i32
      %mul3A_399 = arith.muli %scan3A_72, %mul3A_398 : i32
      %add3A_400 = arith.constant 6 : i32
      %add3A_401 = arith.addi %mul3A_399, %add3A_400 : i32
      %get3A_402 = arith.index_cast %add3A_401 : i32 to index
      %get3A_403 = arith.constant 48 : index
      %get3A_404 = tpu.vector_load %arg6[%get3A_402, %get3A_403] {strides = array<i32>} : memref<320x64xf32, #tpu.memory_space<vmem>>, vector<1x16xf32>,
      %get3A_405 = vector.shape_cast %get3A_404 : vector<1x16xf32> to vector<16xf32>
      %add3A_406 = arith.addf %add3A_397, %get3A_405 : vector<16xf32>
      %mul3A_407 = arith.constant 10 : i32
      %mul3A_408 = arith.muli %scan3A_72, %mul3A_407 : i32
      %add3A_409 = arith.constant 7 : i32
      %add3A_410 = arith.addi %mul3A_408, %add3A_409 : i32
      %get3A_411 = arith.index_cast %add3A_410 : i32 to index
      %get3A_412 = arith.constant 48 : index
      %get3A_413 = tpu.vector_load %arg6[%get3A_411, %get3A_412] {strides = array<i32>} : memref<320x64xf32, #tpu.memory_space<vmem>>, vector<1x16xf32>,
      %get3A_414 = vector.shape_cast %get3A_413 : vector<1x16xf32> to vector<16xf32>
      %add3A_415 = arith.addf %add3A_406, %get3A_414 : vector<16xf32>
      %mul3A_416 = arith.constant 10 : i32
      %mul3A_417 = arith.muli %scan3A_72, %mul3A_416 : i32
      %add3A_418 = arith.constant 8 : i32
      %add3A_419 = arith.addi %mul3A_417, %add3A_418 : i32
      %get3A_420 = arith.index_cast %add3A_419 : i32 to index
      %get3A_421 = arith.constant 48 : index
      %get3A_422 = tpu.vector_load %arg6[%get3A_420, %get3A_421] {strides = array<i32>} : memref<320x64xf32, #tpu.memory_space<vmem>>, vector<1x16xf32>,
      %get3A_423 = vector.shape_cast %get3A_422 : vector<1x16xf32> to vector<16xf32>
      %add3A_424 = arith.addf %add3A_415, %get3A_423 : vector<16xf32>
      %mul3A_425 = arith.constant 10 : i32
      %mul3A_426 = arith.muli %scan3A_72, %mul3A_425 : i32
      %add3A_427 = arith.constant 9 : i32
      %add3A_428 = arith.addi %mul3A_426, %add3A_427 : i32
      %get3A_429 = arith.index_cast %add3A_428 : i32 to index
      %get3A_430 = arith.constant 48 : index
      %get3A_431 = tpu.vector_load %arg6[%get3A_429, %get3A_430] {strides = array<i32>} : memref<320x64xf32, #tpu.memory_space<vmem>>, vector<1x16xf32>,
      %get3A_432 = vector.shape_cast %get3A_431 : vector<1x16xf32> to vector<16xf32>
      %add3A_433 = arith.addf %add3A_424, %get3A_432 : vector<16xf32>
      %swap3A_434 = arith.index_cast %scan3A_72 : i32 to index
      %swap3A_435 = arith.constant 48 : index
      %swap3A_436 = tpu.vector_load %arg7[%swap3A_434, %swap3A_435] {strides = array<i32>} : memref<32x64xf32, #tpu.memory_space<vmem>>, vector<1x16xf32>,
      %swap3A_437 = vector.shape_cast %swap3A_436 : vector<1x16xf32> to vector<16xf32>
      %swap3A_438 = vector.shape_cast %add3A_433 : vector<16xf32> to vector<1x16xf32>
      tpu.vector_store %arg7[%swap3A_434, %swap3A_435], %swap3A_438 {strides = array<i32>} : memref<32x64xf32, #tpu.memory_space<vmem>>, vector<1x16xf32>,
    }
    %scan3A_69 = arith.constant 32 : i32
    %mul3A_70 = arith.constant 32 : i32
    %mul3A_71 = arith.muli %add3A, %mul3A_70 : i32
    "tpu.region"() ({
      %run_scoped3A = tpu.sem_alloc : memref<!tpu.dma_semaphore, #tpu.memory_space<semaphore_mem>>
      %dma_start3A_72 = arith.constant 0 : i32
      %dma_start3A_73 = tpu.memref_slice %arg4[%mul3A_71, %dma_start3A_72] : memref<1024x64xf32, #tpu.memory_space<hbm>> -> memref<32x64xf32, #tpu.memory_space<hbm>>
      %dma_start3A_74 = arith.constant 0 : i32
      %dma_start3A_75 = tpu.memref_slice %arg4[%mul3A_71, %dma_start3A_74] : memref<1024x64xf32, #tpu.memory_space<hbm>> -> memref<32x64xf32, #tpu.memory_space<hbm>>
      tpu.enqueue_dma source(%arg7 : memref<32x64xf32, #tpu.memory_space<vmem>>) target(%dma_start3A_75 : memref<32x64xf32, #tpu.memory_space<hbm>>) target_semaphore(%run_scoped3A : memref<!tpu.dma_semaphore, #tpu.memory_space<semaphore_mem>>)
      %dma_wait3A_76 = arith.constant 0 : i32
      %dma_wait3A_77 = tpu.memref_slice %arg4[%mul3A_71, %dma_wait3A_76] : memref<1024x64xf32, #tpu.memory_space<hbm>> -> memref<32x64xf32, #tpu.memory_space<hbm>>
      %dma_wait3A_78 = arith.constant 0 : i32
      %dma_wait3A_79 = tpu.memref_slice %arg4[%mul3A_71, %dma_wait3A_78] : memref<1024x64xf32, #tpu.memory_space<hbm>> -> memref<32x64xf32, #tpu.memory_space<hbm>>
      tpu.wait_dma2 semaphore(%run_scoped3A : memref<!tpu.dma_semaphore, #tpu.memory_space<semaphore_mem>>) src(%arg7 : memref<32x64xf32, #tpu.memory_space<vmem>>) dst(%dma_wait3A_79 : memref<32x64xf32, #tpu.memory_space<hbm>>)
      tpu.yield
    }) : () -> ()
    return
  }
}

module attributes {stable_mosaic.version = 14 : i64} {
  func.func @_tc_body(%arg0: i32, %arg1: i32, %arg2: memref<1024x64xf32, #tpu.memory_space<vmem>>, %arg3: memref<64x2048xf32, #tpu.memory_space<vmem>>, %arg4: memref<1x2048xf32, #tpu.memory_space<vmem>>, %arg5: memref<2048x1024xf32, #tpu.memory_space<vmem>>, %arg6: memref<1024x66xf32, #tpu.memory_space<vmem>>, %arg7: memref<1x1024xf32, #tpu.memory_space<vmem>>, %arg8: memref<1x1024xf32, #tpu.memory_space<vmem>>) attributes {dimension_semantics = [#tpu.dimension_semantics<arbitrary>, #tpu.dimension_semantics<arbitrary>], iteration_bounds = array<i64: 2, 49>, scalar_prefetch = 0 : i64, scratch_operands = 3 : i64, tpu.core_type = #tpu.core_type<tc>, window_params = [{pipeline_mode = #tpu.pipeline_mode<synchronous>, transform_indices = @transform_0, window_bounds = array<i64: 1024, 64>}, {transform_indices = @transform_1, window_bounds = array<i64: 64, 2048>}, {transform_indices = @transform_2, window_bounds = array<i64: 1, 2048>}, {transform_indices = @transform_3, window_bounds = array<i64: 2048, 1024>}]} {
    %eq3A = arith.constant 0 : i32
    %eq3A_0 = arith.cmpi eq, %arg0, %eq3A : i32
    %eq3A_1 = arith.constant 0 : i32
    %eq3A_2 = arith.cmpi eq, %arg1, %eq3A_1 : i32
    %and3A = arith.andi %eq3A_0, %eq3A_2 : i1
    %convert_element_type3A = arith.extui %and3A : i1 to i32
    %cond3A = arith.constant 0 : i32
    %cond3A_3 = arith.cmpi ne, %convert_element_type3A, %cond3A : i32
    scf.if %cond3A_3 {
      %get3A_28 = arith.constant 0 : index
      %get3A_29 = arith.constant 0 : index
      %get3A_30 = vector.load %arg2[%get3A_28, %get3A_29] : memref<1024x64xf32, #tpu.memory_space<vmem>>, vector<1024x64xf32>
      %swap3A = arith.constant 0 : index
      %swap3A_31 = arith.constant 0 : index
      %swap3A_32 = vector.load %arg6[%swap3A, %swap3A_31] : memref<1024x66xf32, #tpu.memory_space<vmem>>, vector<1024x64xf32>
      tpu.vector_store %arg6[%swap3A, %swap3A_31], %get3A_30 {strides = array<i32>} : memref<1024x66xf32, #tpu.memory_space<vmem>>, vector<1024x64xf32>,
      %broadcast_in_dim3A_33 = arith.constant 1.000000e+00 : f32
      %broadcast_in_dim3A_34 = vector.broadcast %broadcast_in_dim3A_33 : f32 to vector<1024x1xf32>
      %swap3A_35 = arith.constant 0 : index
      %swap3A_36 = arith.constant 64 : index
      %swap3A_37 = vector.load %arg6[%swap3A_35, %swap3A_36] : memref<1024x66xf32, #tpu.memory_space<vmem>>, vector<1024x1xf32>
      tpu.vector_store %arg6[%swap3A_35, %swap3A_36], %broadcast_in_dim3A_34 {strides = array<i32>} : memref<1024x66xf32, #tpu.memory_space<vmem>>, vector<1024x1xf32>,
      %broadcast_in_dim3A_38 = arith.constant 0.000000e+00 : f32
      %broadcast_in_dim3A_39 = vector.broadcast %broadcast_in_dim3A_38 : f32 to vector<1024x1xf32>
      %swap3A_40 = arith.constant 0 : index
      %swap3A_41 = arith.constant 65 : index
      %swap3A_42 = vector.load %arg6[%swap3A_40, %swap3A_41] : memref<1024x66xf32, #tpu.memory_space<vmem>>, vector<1024x1xf32>
      tpu.vector_store %arg6[%swap3A_40, %swap3A_41], %broadcast_in_dim3A_39 {strides = array<i32>} : memref<1024x66xf32, #tpu.memory_space<vmem>>, vector<1024x1xf32>,
      %broadcast_in_dim3A_43 = arith.constant 0xFF800000 : f32
      %broadcast_in_dim3A_44 = vector.broadcast %broadcast_in_dim3A_43 : f32 to vector<1x1024xf32>
      %swap3A_45 = arith.constant 0 : index
      %swap3A_46 = arith.constant 0 : index
      %swap3A_47 = vector.load %arg7[%swap3A_45, %swap3A_46] : memref<1x1024xf32, #tpu.memory_space<vmem>>, vector<1x1024xf32>
      tpu.vector_store %arg7[%swap3A_45, %swap3A_46], %broadcast_in_dim3A_44 {strides = array<i32>} : memref<1x1024xf32, #tpu.memory_space<vmem>>, vector<1x1024xf32>,
      %broadcast_in_dim3A_48 = arith.constant 0.000000e+00 : f32
      %broadcast_in_dim3A_49 = vector.broadcast %broadcast_in_dim3A_48 : f32 to vector<1x1024xf32>
      %swap3A_50 = arith.constant 0 : index
      %swap3A_51 = arith.constant 0 : index
      %swap3A_52 = vector.load %arg8[%swap3A_50, %swap3A_51] : memref<1x1024xf32, #tpu.memory_space<vmem>>, vector<1x1024xf32>
      tpu.vector_store %arg8[%swap3A_50, %swap3A_51], %broadcast_in_dim3A_49 {strides = array<i32>} : memref<1x1024xf32, #tpu.memory_space<vmem>>, vector<1x1024xf32>,
    } else {
    }
    %eq3A_4 = arith.constant 0 : i32
    %eq3A_5 = arith.cmpi eq, %arg0, %eq3A_4 : i32
    %jit3A = arith.constant 1.44269502 : f32
    %jit3A_6 = arith.constant 1.000000e+00 : f32
    %select_n3A = arith.select %eq3A_5, %jit3A, %jit3A_6 : f32
    %get3A = arith.constant 0 : index
    %get3A_7 = arith.constant 0 : index
    %get3A_8 = vector.load %arg3[%get3A, %get3A_7] : memref<64x2048xf32, #tpu.memory_space<vmem>>, vector<64x2048xf32>
    %get3A_9 = arith.constant 0 : index
    %get3A_10 = arith.constant 0 : index
    %get3A_11 = vector.load %arg4[%get3A_9, %get3A_10] : memref<1x2048xf32, #tpu.memory_space<vmem>>, vector<1x2048xf32>
    %broadcast_in_dim3A = arith.constant -1.000000e+00 : f32
    %broadcast_in_dim3A_12 = vector.broadcast %broadcast_in_dim3A : f32 to vector<1x2048xf32>
    %concatenate3A = tpu.concatenate %get3A_8, %get3A_11, %broadcast_in_dim3A_12 in 0 : vector<64x2048xf32>, vector<1x2048xf32>, vector<1x2048xf32> -> vector<66x2048xf32>
    %mul3A = vector.broadcast %select_n3A : f32 to vector<66x2048xf32>
    %mul3A_13 = arith.mulf %concatenate3A, %mul3A : vector<66x2048xf32>
    %get3A_14 = arith.constant 0 : index
    %get3A_15 = arith.constant 0 : index
    %get3A_16 = vector.load %arg6[%get3A_14, %get3A_15] : memref<1024x66xf32, #tpu.memory_space<vmem>>, vector<1024x66xf32>
    %dot_general3A = arith.constant dense<0.000000e+00> : vector<2048x1024xf32>
    %dot_general3A_17 = tpu.matmul %mul3A_13, %get3A_16, %dot_general3A {dimension_numbers = #tpu.dot_dimension_numbers<[0], [1], [1], [0], [0, 1, 1, 0], [], []>, transpose_lhs_hint = false} : vector<66x2048xf32>, vector<1024x66xf32>, vector<2048x1024xf32> -> vector<2048x1024xf32>
    %eq3A_18 = arith.constant 0 : i32
    %eq3A_19 = arith.cmpi eq, %arg0, %eq3A_18 : i32
    %convert_element_type3A_20 = arith.extui %eq3A_19 : i1 to i32
    %cond3A_21 = arith.constant 0 : i32
    %cond3A_22 = arith.cmpi ne, %convert_element_type3A_20, %cond3A_21 : i32
    scf.if %cond3A_22 {
      %get3A_28 = arith.constant 0 : index
      %get3A_29 = arith.constant 0 : index
      %get3A_30 = vector.load %arg7[%get3A_28, %get3A_29] : memref<1x1024xf32, #tpu.memory_space<vmem>>, vector<1x1024xf32>
      %reduce_max3A = arith.constant dense<0xFF800000> : vector<1024xf32>
      %reduce_max3A_31 = vector.multi_reduction <maximumf>, %dot_general3A_17, %reduce_max3A [0] : vector<2048x1024xf32> to vector<1024xf32>
      %broadcast_in_dim3A_32 = vector.shape_cast %reduce_max3A_31 : vector<1024xf32> to vector<1x1024xf32>
      %max3A = arith.maximumf %get3A_30, %broadcast_in_dim3A_32 : vector<1x1024xf32>
      %get3A_33 = arith.constant 0 : index
      %get3A_34 = arith.constant 0 : index
      %get3A_35 = vector.load %arg8[%get3A_33, %get3A_34] : memref<1x1024xf32, #tpu.memory_space<vmem>>, vector<1x1024xf32>
      %sub3A = arith.subf %get3A_30, %max3A : vector<1x1024xf32>
      %exp23A = math.exp2 %sub3A : vector<1x1024xf32>
      %mul3A_36 = arith.mulf %get3A_35, %exp23A : vector<1x1024xf32>
      %sub3A_37 = vector.broadcast %max3A : vector<1x1024xf32> to vector<2048x1024xf32>
      %sub3A_38 = arith.subf %dot_general3A_17, %sub3A_37 : vector<2048x1024xf32>
      %exp23A_39 = math.exp2 %sub3A_38 : vector<2048x1024xf32>
      %reduce_sum3A = arith.constant dense<0.000000e+00> : vector<1024xf32>
      %reduce_sum3A_40 = vector.multi_reduction <add>, %exp23A_39, %reduce_sum3A [0] : vector<2048x1024xf32> to vector<1024xf32>
      %broadcast_in_dim3A_41 = vector.shape_cast %reduce_sum3A_40 : vector<1024xf32> to vector<1x1024xf32>
      %add3A = arith.addf %mul3A_36, %broadcast_in_dim3A_41 : vector<1x1024xf32>
      %swap3A = arith.constant 0 : index
      %swap3A_42 = arith.constant 0 : index
      %swap3A_43 = vector.load %arg8[%swap3A, %swap3A_42] : memref<1x1024xf32, #tpu.memory_space<vmem>>, vector<1x1024xf32>
      tpu.vector_store %arg8[%swap3A, %swap3A_42], %add3A {strides = array<i32>} : memref<1x1024xf32, #tpu.memory_space<vmem>>, vector<1x1024xf32>,
      %swap3A_44 = arith.constant 0 : index
      %swap3A_45 = arith.constant 0 : index
      %swap3A_46 = vector.load %arg7[%swap3A_44, %swap3A_45] : memref<1x1024xf32, #tpu.memory_space<vmem>>, vector<1x1024xf32>
      tpu.vector_store %arg7[%swap3A_44, %swap3A_45], %max3A {strides = array<i32>} : memref<1x1024xf32, #tpu.memory_space<vmem>>, vector<1x1024xf32>,
      %eq3A_47 = arith.constant 48 : i32
      %eq3A_48 = arith.cmpi eq, %arg1, %eq3A_47 : i32
      %convert_element_type3A_49 = arith.extui %eq3A_48 : i1 to i32
      %cond3A_50 = arith.constant 0 : i32
      %cond3A_51 = arith.cmpi ne, %convert_element_type3A_49, %cond3A_50 : i32
      scf.if %cond3A_51 {
        %mul3A_52 = arith.constant 0.693147182 : f32
        %mul3A_53 = vector.broadcast %mul3A_52 : f32 to vector<1x1024xf32>
        %mul3A_54 = arith.mulf %max3A, %mul3A_53 : vector<1x1024xf32>
        %get3A_55 = arith.constant 0 : index
        %get3A_56 = arith.constant 0 : index
        %get3A_57 = vector.load %arg8[%get3A_55, %get3A_56] : memref<1x1024xf32, #tpu.memory_space<vmem>>, vector<1x1024xf32>
        %log3A = math.log %get3A_57 : vector<1x1024xf32>
        %add3A_58 = arith.addf %mul3A_54, %log3A : vector<1x1024xf32>
        %transpose3A = tpu.transpose %add3A_58, [1, 0] : vector<1x1024xf32> -> vector<1024x1xf32>
        %swap3A_59 = arith.constant 0 : index
        %swap3A_60 = arith.constant 65 : index
        %swap3A_61 = vector.load %arg6[%swap3A_59, %swap3A_60] : memref<1024x66xf32, #tpu.memory_space<vmem>>, vector<1024x1xf32>
        tpu.vector_store %arg6[%swap3A_59, %swap3A_60], %transpose3A {strides = array<i32>} : memref<1024x66xf32, #tpu.memory_space<vmem>>, vector<1024x1xf32>,
      } else {
      }
    } else {
    }
    %eq3A_23 = arith.constant 1 : i32
    %eq3A_24 = arith.cmpi eq, %arg0, %eq3A_23 : i32
    %convert_element_type3A_25 = arith.extui %eq3A_24 : i1 to i32
    %cond3A_26 = arith.constant 0 : i32
    %cond3A_27 = arith.cmpi ne, %convert_element_type3A_25, %cond3A_26 : i32
    scf.if %cond3A_27 {
      %swap3A = arith.constant 0 : index
      %swap3A_28 = arith.constant 0 : index
      %swap3A_29 = vector.load %arg5[%swap3A, %swap3A_28] : memref<2048x1024xf32, #tpu.memory_space<vmem>>, vector<2048x1024xf32>
      tpu.vector_store %arg5[%swap3A, %swap3A_28], %dot_general3A_17 {strides = array<i32>} : memref<2048x1024xf32, #tpu.memory_space<vmem>>, vector<2048x1024xf32>,
    } else {
    }
    return
  }
  func.func @transform_0(%arg0: i32, %arg1: i32) -> (i32, i32) {
    %c0_i32 = arith.constant 0 : i32
    %c0_i32_0 = arith.constant 0 : i32
    %c0_i32_1 = arith.constant 0 : i32
    return %c0_i32, %c0_i32_0 : i32, i32
  }
  func.func @transform_1(%arg0: i32, %arg1: i32) -> (i32, i32) {
    %c0_i32 = arith.constant 0 : i32
    %c0_i32_0 = arith.constant 0 : i32
    return %c0_i32, %arg1 : i32, i32
  }
  func.func @transform_2(%arg0: i32, %arg1: i32) -> (i32, i32) {
    %c0_i32 = arith.constant 0 : i32
    %c0_i32_0 = arith.constant 0 : i32
    return %c0_i32, %arg1 : i32, i32
  }
  func.func @transform_3(%arg0: i32, %arg1: i32) -> (i32, i32) {
    %mul3A = arith.muli %arg1, %arg0 : i32
    %c0_i32 = arith.constant 0 : i32
    %c0_i32_0 = arith.constant 0 : i32
    return %mul3A, %c0_i32 : i32, i32
  }
}

</mosaic_0001>

<sc_bundles>
// kernel: kernel.4.cloned.1.call-start
scs
__scs_entry_jumppad:
0x0: {  	(pc) =	sbr.rel $0x88, $3  }
0x1: {  	(tag) =	ssettag $0x0;
	lr =	simm.s32 $0x1  }
0x2: {  	[smem:$0x3F9D] =	sst lr;
	_ =	strace $0xD0000000  }
0x3: {  	_ = 	snop  }
0x4: {  	_ = 	snop  }
0x5: {  	_ = 	snop  }
0x6: {  	_ = 	snop  }
0x7: {  	_ = 	snop  }
__scs_overlays_trampoline_lowered:
0x8: {  	[smem:$0x3FAC] =	sst s0  }
0x9: {  	[smem:$0x3FAD] =	sst s1  }
0xa: {  	[smem:$0x3FAE] =	sst s2  }
0xb: {  	[smem:$0x3FAF] =	sst s3  }
0xc: {  	[smem:$0x3FB0] =	sst s4  }
0xd: {  	[smem:$0x3FB1] =	sst s5  }
0xe: {  	[smem:$0x3FB2] =	sst s6  }
0xf: {  	[smem:$0x3FB3] =	sst s7  }
0x10: {  	[smem:$0x3FB4] =	sst s8  }
0x11: {  	[smem:$0x3FB5] =	sst s9;
	s0 =	simm.s32 @!p0 $0x0  }
0x12: {  	s1 =	sld [smem:$0x3F9B];
	s0 =	simm.s32 @p0 $0x1  }
0x13: {  	[smem:$0x3FB6] =	sst s0;
	s0 =	simm.s32 @!p1 $0x0  }
0x14: {  	s2 =	sld [smem:$0x3F9A];
	s0 =	simm.s32 @p1 $0x1  }
0x15: {  	[smem:$0x3FB7] =	sst s0;
	s0 =	simm.s32 @!p2 $0x0  }
0x16: {  	s3 =	sld [smem:$0x3FDB];
	s0 =	simm.s32 @p2 $0x1  }
0x17: {  	s4 =	simm.s32 $0x1BF5;
	[smem:$0x3FB9] =	sst s0  }
0x18: {  	s0 =	sld [smem:$0x3F9C];
	_ =	swait.ge [sflag:s4], $0x0  }
0x19: {  	s7 =	sld [smem:$0x3F9D]  }
0x1a: {  	s8 =	sadd.s32 $0xFFFFE003, lr  }
0x1b: {  	s9 =	sadd.s32 $0xFFFFFEF7, lr;
	s5 =	simm.s32 $0xFFFFFFFF;
	p2 =	slt.u32 s8, $0xFFFFF086  }
0x1c: {  	p1 =	slt.u32 s9, $0xF7A;
	s5 =	simm.s32 @!p2 $0x0  }
0x1d: {  	s5 =	simm.s32 @p1 $0x1;
	p0 =	seq.s32 s7, s2  }
0x1e: {  	s7 =	smul.u32 @!p0 $0xF7A, s2;
	p2 =	seq.s32 @!p0 s5, $0x0  }
0x1f: {  	s9 =	smul.u32 $0xF7A, s1;
	s8 =	simm.s32 @!p0 $0x1BF5;
	p2 =	por !p2, p0  }
0x20: {  	[sflag:s8] =	ssyncset.s32 @!p0 $0xFFFFF086;
	s6 =	sadd.s32 @!p0 s3, s7;
	s7 =	simm.s32 @!p0 $0x108  }
0x21: {  	s3 =	sadd.s32 s3, s9;
	s6 =	sadd.s32 @!p0 $0x88, s6;
	s7 =	simm.s32 @p2 $0x1082  }
0x22: {  	[simem:s7], [sflag:s8] =	dma.local @!p0 [hbm:s6], $0xF7A  }
0x23: {  	s9 =	sor.u32 $0xD0000000, s2;
	s6 =	simm.s32 $0x108;
	_ =	swait.ge @!p0 [sflag:s8], $0x0  }
0x24: {  	s3 =	sadd.s32 $0x88, s3;
	s6 =	simm.s32 @!p1 $0x1082;
	[sflag:s4] =	ssyncset.s32 $0xFFFFF086  }
0x25: {  	[simem:s6], [sflag:s4] =	dma.local [hbm:s3], $0xF7A  }
0x26: {  	[smem:$0x3F9D] =	sst s1;
	(tag) =	ssettag s2;
	_ =	strace s9  }
0x27: {  	s1 =	sld [smem:$0x3FAD]  }
0x28: {  	s2 =	sld [smem:$0x3FAE]  }
0x29: {  	s4 =	sld [smem:$0x3FB0]  }
0x2a: {  	p0 =	seq.s32 s5, $0x0;
	s5 =	sld [smem:$0x3FB1]  }
0x2b: {  	s6 =	sld [smem:$0x3FB2]  }
0x2c: {  	s7 =	sld [smem:$0x3FB3]  }
0x2d: {  	s3 =	simm.s32 $0x108;
	s8 =	sld [smem:$0x3FB4]  }
0x2e: {  	s3 =	simm.s32 @!p0 $0x1082;
	s9 =	sld [smem:$0x3FB5]  }
0x2f: {  	lr =	sadd.s32 s0, s3;
	s0 =	sld [smem:$0x3FAC]  }
0x30: {  	s3 =	sld [smem:$0x3FAF]  }
0x31: {  	[smem:$0x3FB8] =	sst s10  }
0x32: {  	s10 =	sld [smem:$0x3FB6];
	_ =	sdelay $0x3  }
0x33: {  	p0 =	seq.s32 s10, $0x1;
	s10 =	sld [smem:$0x3FB8];
	_ =	sdelay $0x3  }
0x34: {  	[smem:$0x3FB8] =	sst s10  }
0x35: {  	s10 =	sld [smem:$0x3FB7];
	_ =	sdelay $0x3  }
0x36: {  	p1 =	seq.s32 s10, $0x1;
	s10 =	sld [smem:$0x3FB8];
	_ =	sdelay $0x3  }
0x37: {  	[smem:$0x3FB8] =	sst s10  }
0x38: {  	s10 =	sld [smem:$0x3FB9]  }
0x39: {  	_ = 	snop;
	(pc) =	sbr.ind lr, $3  }
0x3a: {  	_ = 	snop  }
0x3b: {  	_ = 	snop  }
0x3c: {  	p2 =	seq.s32 s10, $0x1;
	s10 =	sld [smem:$0x3FB8]  }
0x3d: {  	_ =	shalt  }
0x3e: {  	_ =	shalt  }
0x3f: {  	_ =	shalt  }
0x40: {  	_ =	shalt  }
0x41: {  	_ =	shalt  }
0x42: {  	_ =	shalt  }
0x43: {  	_ =	shalt  }
0x44: {  	_ =	shalt  }
0x45: {  	_ =	shalt  }
0x46: {  	_ =	shalt  }
0x47: {  	_ =	shalt  }
0x48: {  	_ =	shalt  }
0x49: {  	_ =	shalt  }
0x4a: {  	_ =	shalt  }
0x4b: {  	_ =	shalt  }
0x4c: {  	_ =	shalt  }
0x4d: {  	_ =	shalt  }
0x4e: {  	_ =	shalt  }
0x4f: {  	_ =	shalt  }
0x50: {  	_ =	shalt  }
0x51: {  	_ =	shalt  }
0x52: {  	_ =	shalt  }
0x53: {  	_ =	shalt  }
0x54: {  	_ =	shalt  }
0x55: {  	_ =	shalt  }
0x56: {  	_ =	shalt  }
0x57: {  	_ =	shalt  }
0x58: {  	_ =	shalt  }
0x59: {  	_ =	shalt  }
0x5a: {  	_ =	shalt  }
0x5b: {  	_ =	shalt  }
0x5c: {  	_ =	shalt  }
0x5d: {  	_ =	shalt  }
0x5e: {  	_ =	shalt  }
0x5f: {  	_ =	shalt  }
0x60: {  	_ =	shalt  }
0x61: {  	_ =	shalt  }
0x62: {  	_ =	shalt  }
0x63: {  	_ =	shalt  }
0x64: {  	_ =	shalt  }
0x65: {  	_ =	shalt  }
0x66: {  	_ =	shalt  }
0x67: {  	_ =	shalt  }
0x68: {  	_ =	shalt  }
0x69: {  	_ =	shalt  }
0x6a: {  	_ =	shalt  }
0x6b: {  	_ =	shalt  }
0x6c: {  	_ =	shalt  }
0x6d: {  	_ =	shalt  }
0x6e: {  	_ =	shalt  }
0x6f: {  	_ =	shalt  }
0x70: {  	_ =	shalt  }
0x71: {  	_ =	shalt  }
0x72: {  	_ =	shalt  }
0x73: {  	_ =	shalt  }
0x74: {  	_ =	shalt  }
0x75: {  	_ =	shalt  }
0x76: {  	_ =	shalt  }
0x77: {  	_ =	shalt  }
0x78: {  	_ =	shalt  }
0x79: {  	_ =	shalt  }
0x7a: {  	_ =	shalt  }
0x7b: {  	_ =	shalt  }
0x7c: {  	_ =	shalt  }
0x7d: {  	_ =	shalt  }
0x7e: {  	_ =	shalt  }
0x7f: {  	_ =	shalt  }
0x80: {  	_ =	shalt  }
0x81: {  	_ =	shalt  }
0x82: {  	_ =	shalt  }
0x83: {  	_ =	shalt  }
0x84: {  	_ =	shalt  }
0x85: {  	_ =	shalt  }
0x86: {  	_ =	shalt  }
0x87: {  	_ =	shalt  }
.Lfunc_end0:
.L_simem_size_0:
called_computation_lowered:
.L_overlay_start_0:
0x88: {  	s2 =	sld [smem:$0x3FD9]  }
0x89: {  	s3 =	sld [smem:$0x3FFE];
	_ =	sdelay $0x1  }
0x8a: {  	s1 =	srdreg.scid  }
0x8b: {  	s0 =	sand.u32 $0x1, s1  }
0x8c: {  	s17 =	sshll.u32 s0, $0xA;
	s2 =	sadd.s32 s3, s2  }
0x8d: {  	s2 =	sadd.s32 s2, s17  }
0x8e: {  	[smem:$0x3FC4] =	sst s2  }
0x8f: {  	_ = 	snop  }
0x90: {  	s2 =	sld [smem:$0x3FD0];
	(tm) =	ssettm $0x1  }
0x91: {  	s18 =	sld [smem:$0x3FFB];
	_ =	sdelay $0x3  }
0x92: {  	_ =	strace s18  }
0x93: {  	s3 =	sld [smem:$0x3FFC];
	_ =	sdelay $0x3  }
0x94: {  	_ =	strace s3  }
0x95: {  	s3 =	sld [smem:$0x3FFD];
	_ =	sdelay $0x3  }
0x96: {  	_ =	strace s3  }
0x97: {  	_ =	strace $0x8FFFFFFF  }
0x98: {  	s19 =	sld [smem:$0x3FDB];
	_ =	sdelay $0x1  }
0x99: {  	s4 =	simm.s32 $_scs_section_size  }
0x9a: {  	s5 =	simm.s32 $_size__tile_overlayer_lowered;
	s6 =	simm.s32 $_tile_overlayer_lowered  }
0x9b: {  	s22 =	simm.s32 $0x1BFF;
	s21 =	sshll.u32 s6, $0x1;
	s3 =	sadd.s32 s4, s19  }
0x9c: {  	s7 =	simm.s32 $0x0;
	s20 =	sshll.u32 s5, $0x1;
	s5 =	sadd.s32 s21, s3  }
0x9d: {  	[timem:s7], [sflag:s22] =	dma.local [hbm:s5], s20  }
0x9e: {  	_ =	swait.ge [sflag:s22], s20  }
0x9f: {  	s4 =	ssub.s32 $0x0, s20;
	[sflag:s22] =	ssyncset.done $0x0  }
0xa0: {  	[sflag:s22] =	ssyncadd.s32 s4;
	_ =	sdelay $0x1  }
0xa1: {  	s23 =	simm.s32 $0x1B8B  }
0xa2: {  	_ =	swait.ge [sflag:s23], $0x1  }
0xa3: {  	[sflag:s23] =	ssyncset.done $0x0  }
0xa4: {  	s25 =	simm.s32 $0x1B8E;
	s24 =	sld [smem:$0x3FFE];
	[sflag:s23] =	ssyncadd.s32 $0xFFFFFFFF  }
0xa5: {  	s26 =	simm.s32 $execute0_lowered;
	[smem:$0x3FD2] =	sst s25  }
0xa6: {  	s5 =	sshll.u32 s26, $0x1;
	_ =	strace $0x80000046;
	[dreg:$0x1] =	wrdreg $0xFFFFFFFF  }
0xa7: {  	s28 =	simm.s32 $_size_execute0_lowered;
	s3 =	sadd.s32 s3, s5;
	[dreg:$0x0] =	wrdreg $0x0  }
0xa8: {  	s5 =	sshll.u32 s28, $0x1;
	[dreg:$0x2] =	wrdreg s3  }
0xa9: {  	[dreg:$0x3] =	wrdreg s5  }
0xaa: {  	[dreg:$0x4] =	wrdreg $0xC0  }
0xab: {  	_ =	task [dreg:s7], $0x5FFFF  }
0xac: {  	[dreg:$0x1] =	wrdreg $0xFFFFFFFF  }
0xad: {  	[dreg:$0x0] =	wrdreg $0x60  }
0xae: {  	[dreg:$0x2] =	wrdreg s24  }
0xaf: {  	[dreg:$0x3] =	wrdreg s2  }
0xb0: {  	[dreg:$0x4] =	wrdreg $0x9  }
0xb1: {  	_ =	task.clear_ibuf [dreg:s7], $0x5FFFF;
	_ =	strace $0x90000046  }
0xb2: {  	s29 =	simm.s32 $0x9;
	_ =	strace $0x80000048  }
0xb3: {  	_ =	swait.ge [sflag:s29], $0x1  }
0xb4: {  	[sflag:s29] =	ssyncadd.s32 $0xFFFFFFFF  }
0xb5: {  	_ =	strace $0x90000048  }
0xb6: {  	_ =	sfence  }
0xb7: {  	s30 =	sld [smem:$0x0];
	_ =	sdelay $0x2  }
0xb8: {  	s31 =	sshll.u32 s1, $0xD;
	s1 =	sshrl.u32 s1, $0x2  }
0xb9: {  	s3 =	sand.u32 $0x4000, s31;
	s1 =	sadd.s32 s1, s30  }
0xba: {  	s0 =	sor.u32 s3, s0;
	s1 =	sshll.u32 s1, $0x11  }
0xbb: {  	s0 =	sor.u32 s1, s0  }
0xbc: {  	s0 =	sadd.s32 $0x8F2B, s0  }
0xbd: {  	[sflag:s0] =	ssyncadd.remote.s32 $0x1  }
0xbe: {  	_ =	sfence.sel $0xFFFF  }
0xbf: {  	[dreg:$0x0] =	wrdreg $0xFFFFFFFF;
	(pc) =	sbr.abs _section_cstart, $3  }
0xc0: {  	[dreg:$0x1] =	wrdreg $0xFFFFFFFF  }
0xc1: {  	_ =	task.clear_ibuf [dreg:s7], $0x2FFFF;
	_ =	strace $0x9FFFFFFF  }
0xc2: {  	(tm) =	ssettm $0x7FFFFFFF  }
0xc3: {  	_ =	shalt  }
tec
execute0_lowered:
.L_overlay_start_1:
0x0: {  	(tag) =	ssettag $0x1  }
0x1: {  	s1 =	srdreg.scid;
	s3 =	rddreg [dreg:$0x0]  }
0x2: {  	s0 =	stileid.u32;
	s5 =	rddreg [dreg:$0x1];
	s2 =	simm.s32 $0x0  }
0x3: {  	s9 =	simm.s32 $0x140;
	s10 =	simm.s32 $0x1540;
	s11 =	simm.s32 $0xA0  }
0x4: {  	s12 =	simm.s32 $0x2940;
	s13 =	simm.s32 $0xF0;
	s14 =	simm.s32 $0x3D40  }
0x5: {  	s15 =	simm.s32 $0x1;
	s16 =	simm.s32 $0x5140;
	s17 =	simm.s32 $0x0  }
0x6: {  	s4 =	sand.u32 $0x1, s1;
	s31 =	sshll.u32 s0, $0x1;
	s1 =	rddreg [dreg:$0x2]  }
0x7: {  	[smem:$0x7FF] =	sst s2;
	s6 =	sor.u32 s4, s31;
	s4 =	ssub.s32 $0x2, s4  }
0x8: {  	s7 =	smul.u32 $0x28, s6;
	s8 =	sshrl.u32 s4, $0x1;
	s6 =	sshll.u32 s6, $0x8  }
0x9: {  	_ =	strace $0x80000047;
	s8 =	ssub.s32 s4, s8;
	s5 =	sadd.s32 s5, s6  }
0xa: {  	s7 =	sadd.s32 s7, s3;
	s3 =	sadd.s32 $0x2800, s3;
	s6 =	smax.u32 s8, $0x1  }
0xb: {  	s8 =	simm.s32 $0x50;
	s4 =	sadd.s32 $0x2200, s7;
	s7 =	simm.s32 $0x2  }
.LBB2_1:
0xc: {  	[tilespmem:s2], [sflag:$0x2] =	stream.linear.gather [hbm4b:s4+s2], $0x140, $0x38;
	[tilespmem:$0x5940] =	vst v63  }
0xd: {  	_ =	swait.ge [sflag:s7], $0x140  }
0xe: {  	[sflag:s7] =	ssyncset.done $0x0  }
0xf: {  	[sflag:s7] =	ssyncadd.s32 $0xFFFFFEC0  }
0x10: {  	[tilespmem:s9], [sflag:$0x1] =	stream.indirect.gather [hbm4b:s3+s8], $0x40, s2, s8, $0xb8;
	[tilespmem:$0x5940] =	vst v63  }
0x11: {  	_ = 	snop  }
0x12: {  	[tilespmem:s10], [sflag:$0x1] =	stream.indirect.gather [hbm4b:s3+s8], $0x40, s8, s8, $0xb8;
	[tilespmem:$0x5940] =	vst v63  }
0x13: {  	_ = 	snop  }
0x14: {  	[tilespmem:s12], [sflag:$0x1] =	stream.indirect.gather [hbm4b:s3+s8], $0x40, s11, s8, $0xb8;
	[tilespmem:$0x5940] =	vst v63  }
0x15: {  	_ = 	snop  }
0x16: {  	[tilespmem:s14], [sflag:$0x1] =	stream.indirect.gather [hbm4b:s3+s8], $0x40, s13, s8, $0xb8;
	[tilespmem:$0x5940] =	vst v63  }
0x17: {  	_ =	swait.ge [sflag:s15], $0x1400  }
0x18: {  	[sflag:s15] =	ssyncset.done $0x0  }
0x19: {  	[sflag:s15] =	ssyncadd.s32 $0xFFFFEC00  }
0x1a: {  	_ =	swait.ge [sflag:s15], $0x1400  }
0x1b: {  	[sflag:s15] =	ssyncset.done $0x0  }
0x1c: {  	[sflag:s15] =	ssyncadd.s32 $0xFFFFEC00  }
0x1d: {  	_ =	swait.ge [sflag:s15], $0x1400  }
0x1e: {  	[sflag:s15] =	ssyncset.done $0x0  }
0x1f: {  	[sflag:s15] =	ssyncadd.s32 $0xFFFFEC00  }
0x20: {  	_ =	swait.ge [sflag:s15], $0x1400  }
0x21: {  	[sflag:s15] =	ssyncset.done $0x0  }
0x22: {  	s18 =	simm.s32 $0x280;
	[sflag:s15] =	ssyncadd.s32 $0xFFFFEC00  }
0x23: {  	v0 =	vld [tilespmem:s18+$0xFFFFFF00]  }
0x24: {  	v1 =	vld [tilespmem:s18+$0xFFFFFEC0];
	_ =	sdelay $0x1  }
0x25: {  	v2 =	vld [tilespmem:s18+$0xFFFFFF40];
	_ =	sdelay $0x1  }
0x26: {  	v3 =	vld [tilespmem:s18+$0xFFFFFF80]  }
0x27: {  	v0 =	vadd.f32 v0, v1  }
0x28: {  	v1 =	vld [tilespmem:s18+$0xFFFFFFC0]  }
0x29: {  	v0 =	vadd.f32 v2, v0  }
0x2a: {  	v2 =	vld [tilespmem:s18+$0x0]  }
0x2b: {  	v0 =	vadd.f32 v3, v0  }
0x2c: {  	v3 =	vld [tilespmem:s18+$0x40]  }
0x2d: {  	v0 =	vadd.f32 v1, v0  }
0x2e: {  	v1 =	vld [tilespmem:s18+$0x80]  }
0x2f: {  	v0 =	vadd.f32 v2, v0  }
0x30: {  	v2 =	vld [tilespmem:s18+$0xC0]  }
0x31: {  	v0 =	vadd.f32 v3, v0  }
0x32: {  	v3 =	vld [tilespmem:s18+$0x100]  }
0x33: {  	v0 =	vadd.f32 v1, v0;
	_ =	sdelay $0x1  }
0x34: {  	v0 =	vadd.f32 v2, v0;
	_ =	sdelay $0x1  }
0x35: {  	v0 =	vadd.f32 v3, v0  }
0x36: {  	s19 =	simm.s32 $0x0  }
0x37: {  	[tilespmem:s19+$0x5140] =	vst v0  }
0x38: {  	v0 =	vld [tilespmem:s18+$0xFFFFFED0]  }
0x39: {  	v1 =	vld [tilespmem:s18+$0xFFFFFF10];
	_ =	sdelay $0x1  }
0x3a: {  	v2 =	vld [tilespmem:s18+$0xFFFFFF50];
	_ =	sdelay $0x1  }
0x3b: {  	v3 =	vld [tilespmem:s18+$0xFFFFFF90]  }
0x3c: {  	v0 =	vadd.f32 v1, v0  }
0x3d: {  	v1 =	vld [tilespmem:s18+$0xFFFFFFD0]  }
0x3e: {  	v0 =	vadd.f32 v2, v0  }
0x3f: {  	v2 =	vld [tilespmem:s18+$0x10]  }
0x40: {  	v0 =	vadd.f32 v3, v0  }
0x41: {  	v3 =	vld [tilespmem:s18+$0x50]  }
0x42: {  	v0 =	vadd.f32 v1, v0  }
0x43: {  	v1 =	vld [tilespmem:s18+$0x90]  }
0x44: {  	v0 =	vadd.f32 v2, v0  }
0x45: {  	v2 =	vld [tilespmem:s18+$0xD0]  }
0x46: {  	v0 =	vadd.f32 v3, v0  }
0x47: {  	v3 =	vld [tilespmem:s18+$0x110]  }
0x48: {  	v0 =	vadd.f32 v1, v0;
	_ =	sdelay $0x1  }
0x49: {  	v0 =	vadd.f32 v2, v0;
	_ =	sdelay $0x1  }
0x4a: {  	v0 =	vadd.f32 v3, v0;
	_ =	sdelay $0x1  }
0x4b: {  	[tilespmem:s19+$0x5150] =	vst v0  }
0x4c: {  	v0 =	vld [tilespmem:s18+$0xFFFFFEE0]  }
0x4d: {  	v1 =	vld [tilespmem:s18+$0xFFFFFF20];
	_ =	sdelay $0x1  }
0x4e: {  	v2 =	vld [tilespmem:s18+$0xFFFFFF60];
	_ =	sdelay $0x1  }
0x4f: {  	v3 =	vld [tilespmem:s18+$0xFFFFFFA0]  }
0x50: {  	v0 =	vadd.f32 v1, v0  }
0x51: {  	v1 =	vld [tilespmem:s18+$0xFFFFFFE0]  }
0x52: {  	v0 =	vadd.f32 v2, v0  }
0x53: {  	v2 =	vld [tilespmem:s18+$0x20]  }
0x54: {  	v0 =	vadd.f32 v3, v0  }
0x55: {  	v3 =	vld [tilespmem:s18+$0x60]  }
0x56: {  	v0 =	vadd.f32 v1, v0  }
0x57: {  	v1 =	vld [tilespmem:s18+$0xA0]  }
0x58: {  	v0 =	vadd.f32 v2, v0  }
0x59: {  	v2 =	vld [tilespmem:s18+$0xE0]  }
0x5a: {  	v0 =	vadd.f32 v3, v0  }
0x5b: {  	v3 =	vld [tilespmem:s18+$0x120]  }
0x5c: {  	v0 =	vadd.f32 v1, v0;
	_ =	sdelay $0x1  }
0x5d: {  	v0 =	vadd.f32 v2, v0;
	_ =	sdelay $0x1  }
0x5e: {  	v0 =	vadd.f32 v3, v0;
	_ =	sdelay $0x1  }
0x5f: {  	[tilespmem:s19+$0x5160] =	vst v0  }
0x60: {  	v0 =	vld [tilespmem:s18+$0xFFFFFEF0]  }
0x61: {  	v1 =	vld [tilespmem:s18+$0xFFFFFF30];
	_ =	sdelay $0x1  }
0x62: {  	v2 =	vld [tilespmem:s18+$0xFFFFFF70];
	_ =	sdelay $0x1  }
0x63: {  	v3 =	vld [tilespmem:s18+$0xFFFFFFB0]  }
0x64: {  	v0 =	vadd.f32 v1, v0  }
0x65: {  	v1 =	vld [tilespmem:s18+$0xFFFFFFF0]  }
0x66: {  	v0 =	vadd.f32 v2, v0  }
0x67: {  	v2 =	vld [tilespmem:s18+$0x30]  }
0x68: {  	v0 =	vadd.f32 v3, v0  }
0x69: {  	v3 =	vld [tilespmem:s18+$0x70]  }
0x6a: {  	v0 =	vadd.f32 v1, v0  }
0x6b: {  	v4 =	vld [tilespmem:s18+$0xB0]  }
0x6c: {  	v0 =	vadd.f32 v2, v0  }
0x6d: {  	v1 =	vld [tilespmem:s18+$0xF0]  }
0x6e: {  	v2 =	vadd.f32 v3, v0  }
0x6f: {  	v0 =	vld [tilespmem:s18+$0x130]  }
0x70: {  	s20 =	simm.s32 $0x100;
	v2 =	vadd.f32 v4, v2  }
.LBB2_2:
0x71: {  	p0 =	sne.s32 s20, $0x1F00  }
0x72: {  	s18 =	sadd.s32 $0x280, s18;
	s21 =	smov.u32 s20;
	s20 =	sadd.s32 $0x100, s20;
	v1 =	vadd.f32 v1, v2  }
0x73: {  	_ = 	snop  }
0x74: {  	v0 =	vadd.f32 v0, v1;
	_ =	sdelay $0x1  }
0x75: {  	[tilespmem:s19+$0x5170] =	vst v0  }
0x76: {  	v0 =	vld [tilespmem:s18+$0xFFFFFF00]  }
0x77: {  	v1 =	vld [tilespmem:s18+$0xFFFFFEC0];
	_ =	sdelay $0x1  }
0x78: {  	v2 =	vld [tilespmem:s18+$0xFFFFFF40];
	_ =	sdelay $0x1  }
0x79: {  	v3 =	vld [tilespmem:s18+$0xFFFFFF80]  }
0x7a: {  	v0 =	vadd.f32 v0, v1  }
0x7b: {  	v1 =	vld [tilespmem:s18+$0xFFFFFFC0]  }
0x7c: {  	v0 =	vadd.f32 v2, v0  }
0x7d: {  	v2 =	vld [tilespmem:s18+$0x0]  }
0x7e: {  	v0 =	vadd.f32 v3, v0  }
0x7f: {  	v3 =	vld [tilespmem:s18+$0x40]  }
0x80: {  	v0 =	vadd.f32 v1, v0  }
0x81: {  	v1 =	vld [tilespmem:s18+$0x80]  }
0x82: {  	v0 =	vadd.f32 v2, v0  }
0x83: {  	v2 =	vld [tilespmem:s18+$0xC0]  }
0x84: {  	v0 =	vadd.f32 v3, v0  }
0x85: {  	v3 =	vld [tilespmem:s18+$0x100]  }
0x86: {  	v0 =	vadd.f32 v1, v0;
	_ =	sdelay $0x1  }
0x87: {  	v0 =	vadd.f32 v2, v0;
	_ =	sdelay $0x1  }
0x88: {  	v0 =	vadd.f32 v3, v0  }
0x89: {  	s19 =	sshra.s32 s21, $0x2  }
0x8a: {  	[tilespmem:s19+$0x5140] =	vst v0  }
0x8b: {  	v0 =	vld [tilespmem:s18+$0xFFFFFED0]  }
0x8c: {  	v1 =	vld [tilespmem:s18+$0xFFFFFF10];
	_ =	sdelay $0x1  }
0x8d: {  	v2 =	vld [tilespmem:s18+$0xFFFFFF50];
	_ =	sdelay $0x1  }
0x8e: {  	v3 =	vld [tilespmem:s18+$0xFFFFFF90]  }
0x8f: {  	v0 =	vadd.f32 v1, v0  }
0x90: {  	v1 =	vld [tilespmem:s18+$0xFFFFFFD0]  }
0x91: {  	v0 =	vadd.f32 v2, v0  }
0x92: {  	v2 =	vld [tilespmem:s18+$0x10]  }
0x93: {  	v0 =	vadd.f32 v3, v0  }
0x94: {  	v3 =	vld [tilespmem:s18+$0x50]  }
0x95: {  	v0 =	vadd.f32 v1, v0  }
0x96: {  	v1 =	vld [tilespmem:s18+$0x90]  }
0x97: {  	v0 =	vadd.f32 v2, v0  }
0x98: {  	v2 =	vld [tilespmem:s18+$0xD0]  }
0x99: {  	v0 =	vadd.f32 v3, v0  }
0x9a: {  	v3 =	vld [tilespmem:s18+$0x110]  }
0x9b: {  	v0 =	vadd.f32 v1, v0;
	_ =	sdelay $0x1  }
0x9c: {  	v0 =	vadd.f32 v2, v0;
	_ =	sdelay $0x1  }
0x9d: {  	v0 =	vadd.f32 v3, v0;
	_ =	sdelay $0x1  }
0x9e: {  	[tilespmem:s19+$0x5150] =	vst v0  }
0x9f: {  	v0 =	vld [tilespmem:s18+$0xFFFFFEE0]  }
0xa0: {  	v1 =	vld [tilespmem:s18+$0xFFFFFF20];
	_ =	sdelay $0x1  }
0xa1: {  	v2 =	vld [tilespmem:s18+$0xFFFFFF60];
	_ =	sdelay $0x1  }
0xa2: {  	v3 =	vld [tilespmem:s18+$0xFFFFFFA0]  }
0xa3: {  	v0 =	vadd.f32 v1, v0  }
0xa4: {  	v1 =	vld [tilespmem:s18+$0xFFFFFFE0]  }
0xa5: {  	v0 =	vadd.f32 v2, v0  }
0xa6: {  	v2 =	vld [tilespmem:s18+$0x20]  }
0xa7: {  	v0 =	vadd.f32 v3, v0  }
0xa8: {  	v3 =	vld [tilespmem:s18+$0x60]  }
0xa9: {  	v0 =	vadd.f32 v1, v0  }
0xaa: {  	v1 =	vld [tilespmem:s18+$0xA0]  }
0xab: {  	v0 =	vadd.f32 v2, v0  }
0xac: {  	v2 =	vld [tilespmem:s18+$0xE0]  }
0xad: {  	v0 =	vadd.f32 v3, v0  }
0xae: {  	v3 =	vld [tilespmem:s18+$0x120]  }
0xaf: {  	v0 =	vadd.f32 v1, v0;
	_ =	sdelay $0x1  }
0xb0: {  	v0 =	vadd.f32 v2, v0;
	_ =	sdelay $0x1  }
0xb1: {  	v0 =	vadd.f32 v3, v0;
	_ =	sdelay $0x1  }
0xb2: {  	[tilespmem:s19+$0x5160] =	vst v0  }
0xb3: {  	v0 =	vld [tilespmem:s18+$0xFFFFFEF0]  }
0xb4: {  	v1 =	vld [tilespmem:s18+$0xFFFFFF30]  }
0xb5: {  	v2 =	vld [tilespmem:s18+$0xFFFFFF70]  }
0xb6: {  	v3 =	vld [tilespmem:s18+$0xFFFFFFB0]  }
0xb7: {  	v4 =	vld [tilespmem:s18+$0xFFFFFFF0]  }
0xb8: {  	v5 =	vld [tilespmem:s18+$0x30]  }
0xb9: {  	v0 =	vadd.f32 v1, v0;
	v6 =	vld [tilespmem:s18+$0x70]  }
0xba: {  	v7 =	vld [tilespmem:s18+$0xB0]  }
0xbb: {  	v2 =	vadd.f32 v2, v0;
	v1 =	vld [tilespmem:s18+$0xF0]  }
0xbc: {  	v0 =	vld [tilespmem:s18+$0x130]  }
0xbd: {  	v2 =	vadd.f32 v3, v2;
	_ =	sdelay $0x1  }
0xbe: {  	v2 =	vadd.f32 v4, v2;
	_ =	sdelay $0x1  }
.Ltmp0:
0xbf: {  	v2 =	vadd.f32 v5, v2;
	(pc) =	sbr.rel @p0 .LBB2_2-.Ltmp0, $3  }
0xc0: {  	_ = 	snop  }
0xc1: {  	v2 =	vadd.f32 v6, v2;
	_ =	sdelay $0x1  }
0xc2: {  	v2 =	vadd.f32 v7, v2  }
0xc3: {  	_ = 	snop  }
0xc4: {  	v1 =	vadd.f32 v1, v2;
	_ =	sdelay $0x1  }
0xc5: {  	s17 =	sadd.s32 $0x1, s17;
	v0 =	vadd.f32 v0, v1  }
0xc6: {  	p0 =	sne.s32 s17, s6  }
.Ltmp1:
0xc7: {  	[tilespmem:s19+$0x5170] =	vst v0;
	(pc) =	sbr.rel @p0 .LBB2_1-.Ltmp1, $4  }
0xc8: {  	[hbm4b:s5+s2] =	stream.linear.scatter [tilespmem:s16], [sflag:$0x2], $0x800, $0x38;
	[tilespmem:$0x5940] =	vst v63  }
0xc9: {  	_ =	swait.ge [sflag:s7], $0x800  }
0xca: {  	[sflag:s7] =	ssyncset.done $0x0  }
0xcb: {  	[sflag:s7] =	ssyncadd.s32 $0xFFFFF800  }
0xcc: {  	_ =	sfence.sel $0x180000  }
0xcd: {  	[bflag:$0x0] =	sbarrier.arrive $0xFFFF  }
0xce: {  	p0 =	sne.s32 s0, $0x0;
	_ =	strace $0x90000047  }
0xcf: {  	s0 =	sadd.s32 @!p0 $0x100000, s1;
	[bflag:$0x2] =	sbarrier.arrive $0xFFFF  }
0xd0: {  	[sflag:s0] =	ssyncadd.tile.s32 @!p0 $0x1;
	_ =	shalt  }
.Lfunc_end2:
_tile_overlayer_lowered:
.L_overlay_start_2:
0xd1: {  	(tag) =	ssettag $0x2  }
0xd2: {  	s0 =	rddreg [dreg:$0x0];
	s2 =	stileid.u32  }
0xd3: {  	s1 =	rddreg [dreg:$0x1];
	p0 =	sne.s32 s2, $0x0  }
0xd4: {  	s3 =	rddreg [dreg:$0x2];
	[bflag:$0x3] =	sbarrier.arrive $0xFFFF;
	s2 =	simm.s32 @!p0 $0x1C02  }
0xd5: {  	[timem:s3], [sflag:s2] =	dma.local @!p0 [hbm:s0], s1  }
0xd6: {  	s0 =	simm.s32 @!p0 $0x2  }
0xd7: {  	_ =	swait.ge @!p0 [sflag:s0], s1  }
0xd8: {  	s1 =	ssub.s32 @!p0 $0x0, s1;
	[sflag:s0] =	ssyncset.done @!p0 $0x0  }
0xd9: {  	[sflag:s0] =	ssyncadd.s32 @!p0 s1  }
0xda: {  	[bflag:$0x3] =	sbarrier.arrive $0xFFFF  }
0xdb: {  	_ =	shalt  }

</sc_bundles>
